<compile_context>
chip_gen: v7x
topology: tpu7x:2x2x1
jax: 0.10.2.dev20260603
libtpu: 0.0.44.dev20260713+nightly
codegen_flags: <defaults>
</compile_context>

<pallas_src>
import functools

import jax
import jax.numpy as jnp
import numpy as np
from jax import lax
from jax.experimental import pallas as pl
from jax.experimental.pallas import tpu as pltpu
from jax.experimental.pallas import tpu_sc as plsc

H = 128
NHEAD = 8
HH = H * NHEAD
RBF_K = 64
CUTOFF = 10.0
N_NODES = 1024
N_EDGES = 2048

_NC, _NS = 2, 16
_NW = _NC * _NS
_EPW = N_EDGES // _NW


def _sc_gather(atom_embs, pos_pad, ei):
    mesh = plsc.VectorSubcoreMesh(core_axis_name="c", subcore_axis_name="s")

    @functools.partial(
        pl.kernel,
        out_type=(
            jax.ShapeDtypeStruct((N_EDGES, H), jnp.float32),
            jax.ShapeDtypeStruct((N_EDGES, H), jnp.float32),
            jax.ShapeDtypeStruct((N_EDGES, H), jnp.float32),
        ),
        mesh=mesh,
        scratch_types=[
            pltpu.VMEM((_EPW,), jnp.int32),
            pltpu.VMEM((_EPW,), jnp.int32),
            pltpu.VMEM((_EPW, H), jnp.float32),
            pltpu.VMEM((_EPW, H), jnp.float32),
            pltpu.VMEM((_EPW, H), jnp.float32),
            pltpu.VMEM((_EPW, H), jnp.float32),
            pltpu.SemaphoreType.DMA,
        ],
    )
    def k(embs_hbm, pos_hbm, ei_hbm, gd_hbm, gs_hbm, pdiff_hbm,
          idx_d, idx_s, r0, r1, r2, r3, sem):
        wid = lax.axis_index("s") * _NC + lax.axis_index("c")
        base = wid * _EPW
        pltpu.sync_copy(ei_hbm.at[1, pl.ds(base, _EPW)], idx_d)
        pltpu.sync_copy(ei_hbm.at[0, pl.ds(base, _EPW)], idx_s)
        c0 = pltpu.async_copy(embs_hbm.at[idx_d], r0, sem)
        c1 = pltpu.async_copy(embs_hbm.at[idx_s], r1, sem)
        c2 = pltpu.async_copy(pos_hbm.at[idx_d], r2, sem)
        c3 = pltpu.async_copy(pos_hbm.at[idx_s], r3, sem)
        c0.wait()
        pltpu.sync_copy(r0, gd_hbm.at[pl.ds(base, _EPW)])
        c1.wait()
        pltpu.sync_copy(r1, gs_hbm.at[pl.ds(base, _EPW)])
        c2.wait()
        c3.wait()

        def drow(r, carry):
            for cc in range(H // 16):
                sl = pl.ds(cc * 16, 16)
                r2[r, sl] = r2[r, sl] - r3[r, sl]
            return carry

        lax.fori_loop(0, _EPW, drow, 0)
        pltpu.sync_copy(r2, pdiff_hbm.at[pl.ds(base, _EPW)])

    return k(atom_embs, pos_pad, ei)


def _sc_scatter(msg, ei):
    mesh = plsc.VectorSubcoreMesh(core_axis_name="c", subcore_axis_name="s")
    rpw = N_NODES // _NS

    @functools.partial(
        pl.kernel,
        out_type=jax.ShapeDtypeStruct((_NC, N_NODES, H), jnp.float32),
        mesh=mesh,
        scratch_types=[
            pltpu.VMEM((_EPW,), jnp.int32),
            pltpu.VMEM((_EPW, H), jnp.float32),
            pltpu.VMEM_SHARED((N_NODES, H), jnp.float32),
            pltpu.SemaphoreType.DMA,
        ],
    )
    def k(msg_hbm, ei_hbm, out_hbm, idx_v, rows_v, agg_s, sem):
        cid = lax.axis_index("c")
        sid = lax.axis_index("s")
        wid = sid * _NC + cid
        base = wid * _EPW

        def zrow(r, carry):
            for cc in range(H // 16):
                rows_v[r, pl.ds(cc * 16, 16)] = jnp.zeros((16,), jnp.float32)
            return carry

        lax.fori_loop(0, _EPW, zrow, 0)
        pltpu.sync_copy(rows_v, agg_s.at[pl.ds(sid * rpw, rpw)])
        plsc.subcore_barrier()
        pltpu.sync_copy(msg_hbm.at[pl.ds(base, _EPW)], rows_v)
        pltpu.sync_copy(ei_hbm.at[1, pl.ds(base, _EPW)], idx_v)
        pltpu.sync_copy(rows_v, agg_s.at[idx_v], add=True)
        plsc.subcore_barrier()
        pltpu.sync_copy(agg_s.at[pl.ds(sid * rpw, rpw)],
                        out_hbm.at[cid, pl.ds(sid * rpw, rpw)])

    return k(msg, ei)


def _dot(a, b):
    return lax.dot_general(a, b, (((1,), (0,)), ((), ())),
                           preferred_element_type=jnp.float32)


def _dot_t(a, b):
    return lax.dot_general(a, b, (((1,), (1,)), ((), ())),
                           preferred_element_type=jnp.float32)


_RBF_WIDTH = float((0.5 / ((1.0 - np.exp(-CUTOFF)) / RBF_K)) ** 2)


def _tc_main(gd, gs, pdiff, ew, Wq, Wk, Wv, Wi, bi, Wj, bj, We, be,
             Wr, br, centers, ei, Wo, bo, ln_g, ln_b, W1, b1, W2, b2, W3, b3,
             interpret=False):
    blk = 1024
    nblk = N_EDGES // blk
    scale = float(H) ** -0.5

    def body(gd_r, gs_r, pdiff_r, ew_r, Wq_r, Wk_r, Wv_r, Wi_r, bi_r,
             Wj_r, bj_r, We_r, be_r, Wr_r, br_r, c_r, ei_r, wo_r, bo_r,
             g_r, b_r, w1_r, b1_r, w2_r, b2_r, w3_r, b3_r,
             out_o, q_scr, kt_scr, iw_scr, pt_scr, pdt_scr, msg_scr):
        i = pl.program_id(0)

        @pl.when(i == 0)
        def _prep():
            ew_b = ew_r[...]
            x_i = gd_r[...] + ew_b
            x_j = gs_r[...] + ew_b
            q_scr[...] = (_dot_t(x_i, Wq_r[...]) * scale).astype(jnp.bfloat16)
            kt_scr[...] = _dot_t(Wk_r[...], x_i).astype(jnp.bfloat16)
            v = _dot_t(x_i, Wv_r[...])
            hi = _dot_t(x_i, Wi_r[...]) + bi_r[...]
            hj = _dot_t(x_j, Wj_r[...]) + bj_r[...]
            edge = jnp.concatenate([hi + hj, hi - hj, hi * hj], axis=1)
            diff = pdiff_r[...]
            dist = jnp.sqrt(jnp.sum(diff * diff, axis=1, keepdims=True))
            x = dist / CUTOFF
            x3 = x ** 3
            x4 = x3 * x
            x5 = x4 * x
            cut = jnp.where(x < 1.0, 1 - 6 * x5 + 15 * x4 - 10 * x3,
                            jnp.zeros_like(x))
            rbf = cut * jnp.exp(-_RBF_WIDTH * (jnp.exp(-dist) - c_r[...]) ** 2)
            inner = (_dot_t(edge, We_r[...]) + be_r[...] +
                     _dot_t(rbf, Wr_r[...]) + br_r[...] + v)
            iw_scr[...] = _dot_t(inner, wo_r[...]).astype(jnp.bfloat16)
            idst = lax.broadcasted_iota(jnp.int32, (N_NODES, N_EDGES), 0)
            pt_scr[...] = (ei_r[0:1, :] == idst).astype(jnp.bfloat16)
            pdt_scr[...] = (ei_r[1:2, :] == idst).astype(jnp.bfloat16)

        @pl.when(i > 0)
        def _attn():
            b = i - 1
            q = q_scr[pl.ds(b * blk, blk), :]
            logits = _dot(q, kt_scr[...])
            c = jnp.max(logits, axis=1, keepdims=True)
            e = jnp.exp(logits - c).astype(jnp.bfloat16)
            s = _dot_t(e, pt_scr[...])
            rs = jnp.where(s > 0.0, 1.0 / s, 0.0).astype(jnp.bfloat16)
            recip = _dot(rs, pt_scr[...])
            prod = e * recip.astype(jnp.bfloat16)
            msg_scr[pl.ds(b * blk, blk), :] = (
                _dot(prod, iw_scr[...]) + bo_r[...]).astype(jnp.bfloat16)

        @pl.when(i == nblk)
        def _tail():
            agg = _dot(pdt_scr[...], msg_scr[...])
            g = g_r[...]
            b = b_r[...]
            h = _layer_norm_in(agg, g, b)
            f = _softplus(_dot_t(h, w1_r[...]) + b1_r[...])
            f = _softplus(_dot_t(f, w2_r[...]) + b2_r[...])
            f = _softplus(_dot_t(f, w3_r[...]) + b3_r[...])
            out_o[...] = _layer_norm_in(f, g, b)

    full = lambda shape: pl.BlockSpec(shape, lambda i: tuple(0 for _ in shape))
    return pl.pallas_call(
        body,
        grid=(1 + nblk,),
        in_specs=[
            full((N_EDGES, H)), full((N_EDGES, H)), full((N_EDGES, H)),
            full((N_EDGES, 1)),
            full((HH, H)), full((HH, H)), full((HH, H)),
            full((H, H)), full((1, H)), full((H, H)), full((1, H)),
            full((HH, 3 * H)), full((1, HH)), full((HH, RBF_K)),
            full((1, HH)), full((1, RBF_K)),
            full((2, N_EDGES)),
            full((H, HH)), full((1, H)),
            full((1, H)), full((1, H)),
            full((H, H)), full((1, H)), full((H, H)), full((1, H)),
            full((H, H)), full((1, H)),
        ],
        out_specs=pl.BlockSpec((N_NODES, H), lambda i: (0, 0)),
        out_shape=jax.ShapeDtypeStruct((N_NODES, H), jnp.float32),
        scratch_shapes=[
            pltpu.VMEM((N_EDGES, HH), jnp.bfloat16),
            pltpu.VMEM((HH, N_EDGES), jnp.bfloat16),
            pltpu.VMEM((N_EDGES, H), jnp.bfloat16),
            pltpu.VMEM((N_NODES, N_EDGES), jnp.bfloat16),
            pltpu.VMEM((N_NODES, N_EDGES), jnp.bfloat16),
            pltpu.VMEM((N_EDGES, H), jnp.bfloat16),
        ],
        interpret=interpret,
    )(gd, gs, pdiff, ew, Wq, Wk, Wv, Wi, bi, Wj, bj, We, be, Wr, br,
      centers, ei, Wo, bo, ln_g, ln_b, W1, b1, W2, b2, W3, b3)


def _layer_norm_in(x, g, b, eps=1e-5):
    mu = jnp.mean(x, axis=-1, keepdims=True)
    var = jnp.mean((x - mu) ** 2, axis=-1, keepdims=True)
    return (x - mu) / jnp.sqrt(var + eps) * g + b


def _softplus(x):
    return jnp.maximum(x, 0.0) + jnp.log(1.0 + jnp.exp(-jnp.abs(x)))


def _tc_final(aggp, ln_g, ln_b, W1, b1, W2, b2, W3, b3, interpret=False):
    def body(a_r, g_r, b_r, w1_r, b1_r, w2_r, b2_r, w3_r, b3_r, o_r):
        agg = a_r[0] + a_r[1]
        g = g_r[...]
        b = b_r[...]
        h = _layer_norm_in(agg, g, b)
        f = _softplus(_dot_t(h, w1_r[...]) + b1_r[...])
        f = _softplus(_dot_t(f, w2_r[...]) + b2_r[...])
        f = _softplus(_dot_t(f, w3_r[...]) + b3_r[...])
        o_r[...] = _layer_norm_in(f, g, b)

    return pl.pallas_call(
        body,
        out_shape=jax.ShapeDtypeStruct((N_NODES, H), jnp.float32),
        interpret=interpret,
    )(aggp, ln_g, ln_b, W1, b1, W2, b2, W3, b3)


def kernel(atom_embs, edge_indices, pos, edge_weight, Wq, Wk, Wv, Wi, bi, Wj,
           bj, We, be, Wr, br, Wo, bo, ln_g, ln_b, W1, b1, W2, b2, W3, b3):
    pos_pad = jnp.pad(pos, ((0, 0), (0, H - 3)))
    ew = edge_weight.reshape(N_EDGES, 1)
    centers = jnp.asarray(
        np.linspace(1.0, np.exp(-CUTOFF), RBF_K), dtype=jnp.float32
    ).reshape(1, RBF_K)
    r1 = lambda v: v.reshape(1, -1)

    gd, gs, pdiff = _sc_gather(atom_embs, pos_pad, edge_indices)
    return _tc_main(gd, gs, pdiff, ew, Wq, Wk, Wv, Wi, r1(bi), Wj, r1(bj),
                    We, r1(be), Wr, r1(br), centers, edge_indices, Wo,
                    r1(bo), r1(ln_g), r1(ln_b), W1, r1(b1), W2, r1(b2),
                    W3, r1(b3))

# --- scband reference (transcript-rebuilt; emitter-appended) ---
"""Pipeline reference for scband-transformer-encoder-layer-4810363372627 (READ-ONLY COPY).

The authoritative reference and input builder live on the scoring server;
editing this copy changes nothing except your own understanding.
"""

import jax, jax.numpy as jnp
import numpy as np

H = 128
NHEAD = 8
RBF_K = 64
CUTOFF = 10.0
N_NODES = 1024
N_EDGES = 2048


def _rbf(D):
    centers = jnp.asarray(np.linspace(1.0, np.exp(-CUTOFF), RBF_K), dtype=jnp.float32)
    width = jnp.float32((0.5 / ((1.0 - np.exp(-CUTOFF)) / RBF_K)) ** 2)
    D = D[:, None]
    x = D / CUTOFF
    x3 = x ** 3
    x4 = x3 * x
    x5 = x4 * x
    cut = jnp.where(x < 1, 1 - 6 * x5 + 15 * x4 - 10 * x3, jnp.zeros_like(x))
    return cut * jnp.exp(-width * (jnp.exp(-D) - centers[None, :]) ** 2)


def _scatter_softmax_cols(logits, index, num_segments):
    # torch_scatter.scatter_softmax(src=[E,E], index=[E], dim=-1): softmax over
    # column groups defined by index, independently for each row.
    lt = logits.T  # [E_cols, E_rows]
    gmax = jax.ops.segment_max(lt, index, num_segments=num_segments)
    m = gmax[index]
    e = jnp.exp(lt - m)
    s = jax.ops.segment_sum(e, index, num_segments=num_segments)
    return (e / s[index]).T


def _layer_norm(x, g, b, eps=1e-5):
    mu = jnp.mean(x, axis=-1, keepdims=True)
    var = jnp.mean((x - mu) ** 2, axis=-1, keepdims=True)
    return (x - mu) / jnp.sqrt(var + eps) * g + b


def setup_inputs(seed: int = 0):
    key = jax.random.key(seed)
    ks = jax.random.split(key, 24)
    HH = H * NHEAD

    def lin(k, out_d, in_d):
        return (jax.random.normal(k, (out_d, in_d), jnp.float32) / np.sqrt(in_d)).astype(jnp.float32)

    src = jax.random.randint(ks[0], (N_EDGES,), 0, N_NODES)
    off = jax.random.randint(ks[1], (N_EDGES,), 1, N_NODES)
    dst = (src + off) % N_NODES  # no self loops -> dist > 0 everywhere
    return {
        "atom_embs": jax.random.normal(ks[2], (N_NODES, H), jnp.float32),
        "edge_indices": jnp.stack([src, dst]).astype(jnp.int32),
        "pos": jax.random.normal(ks[3], (N_NODES, 3), jnp.float32) * 3.0,
        "edge_weight": jax.random.normal(ks[4], (N_EDGES,), jnp.float32) * 0.1,
        "Wq": lin(ks[5], HH, H),
        "Wk": lin(ks[6], HH, H),
        "Wv": lin(ks[7], HH, H),
        "Wi": lin(ks[8], H, H), "bi": jnp.zeros((H,), jnp.float32),
        "Wj": lin(ks[9], H, H), "bj": jnp.zeros((H,), jnp.float32),
        "We": lin(ks[10], HH, 3 * H), "be": jnp.zeros((HH,), jnp.float32),
        "Wr": lin(ks[11], HH, RBF_K), "br": jnp.zeros((HH,), jnp.float32),
        "Wo": lin(ks[12], H, HH), "bo": jnp.zeros((H,), jnp.float32),
        "ln_g": jnp.ones((H,), jnp.float32), "ln_b": jnp.zeros((H,), jnp.float32),
        "W1": lin(ks[13], H, H), "b1": jnp.zeros((H,), jnp.float32),
        "W2": lin(ks[14], H, H), "b2": jnp.zeros((H,), jnp.float32),
        "W3": lin(ks[15], H, H), "b3": jnp.zeros((H,), jnp.float32),
    }


def reference(atom_embs, edge_indices, pos, edge_weight, Wq, Wk, Wv, Wi, bi, Wj, bj, We, be, Wr, br, Wo, bo, ln_g, ln_b, W1, b1, W2, b2, W3, b3):
    src = edge_indices[0]
    dst = edge_indices[1]
    ew = edge_weight[:, None]
    # MessagePassing flow source_to_target: *_i gathers edge_index[1], *_j gathers edge_index[0]
    x_i = atom_embs[dst] + ew
    x_j = atom_embs[src] + ew
    Q = x_i @ Wq.T
    K = x_i @ Wk.T
    V = x_i @ Wv.T
    prod = _scatter_softmax_cols((Q @ K.T) * (H ** -0.5), src, N_NODES)
    hi = x_i @ Wi.T + bi
    hj = x_j @ Wj.T + bj
    edge_ij = jnp.concatenate([hi + hj, hi - hj, hi * hj], axis=-1)
    dist = jnp.linalg.norm(pos[dst] - pos[src], axis=-1)
    dist_exp = _rbf(dist)
    inner = edge_ij @ We.T + be + dist_exp @ Wr.T + br + V
    msg = (prod @ inner) @ Wo.T + bo
    agg = jax.ops.segment_sum(msg, dst, num_segments=N_NODES)  # default aggr='add' at target
    h = _layer_norm(agg, ln_g, ln_b)
    f = jax.nn.softplus(h @ W1.T + b1)
    f = jax.nn.softplus(f @ W2.T + b2)
    f = jax.nn.softplus(f @ W3.T + b3)
    return _layer_norm(f, ln_g, ln_b)  # same (shared) LayerNorm applied twice, as in torch code

if __name__ == "__main__":
    import jax
    _d = setup_inputs()
    print(jax.jit(kernel)(*tuple(_d.values())))

</pallas_src>

<mosaic_0001>
#map = affine_map<(d0, d1) -> (0, 0)>
module attributes {stable_mosaic.version = 14 : i64} {
  func.func @k(%arg0: i32, %arg1: i32, %arg2: memref<1024x128xf32, #tpu.memory_space<hbm>>, %arg3: memref<1024x128xf32, #tpu.memory_space<hbm>>, %arg4: memref<2x2048xi32, #tpu.memory_space<hbm>>, %arg5: memref<2048x128xf32, #tpu.memory_space<hbm>>, %arg6: memref<2048x128xf32, #tpu.memory_space<hbm>>, %arg7: memref<2048x128xf32, #tpu.memory_space<hbm>>, %arg8: memref<64xi32, #tpu.memory_space<vmem>>, %arg9: memref<64xi32, #tpu.memory_space<vmem>>, %arg10: memref<64x128xf32, #tpu.memory_space<vmem>>, %arg11: memref<64x128xf32, #tpu.memory_space<vmem>>, %arg12: memref<64x128xf32, #tpu.memory_space<vmem>>, %arg13: memref<64x128xf32, #tpu.memory_space<vmem>>, %arg14: memref<!tpu.dma_semaphore, #tpu.memory_space<semaphore_mem>>) attributes {dimension_semantics = [#tpu.dimension_semantics<core_parallel>, #tpu.dimension_semantics<subcore_parallel>], iteration_bounds = array<i64: 2, 16>, scalar_prefetch = 0 : i64, scratch_operands = 7 : i64, tpu.core_type = #tpu.core_type<sc_vector_subcore>, window_params = [{transform_indices = #map}, {transform_indices = #map}, {transform_indices = #map}, {transform_indices = #map}, {transform_indices = #map}, {transform_indices = #map}]} {
    %mul3A = arith.constant 2 : i32
    %mul3A_0 = arith.muli %arg1, %mul3A : i32
    %add3A = arith.addi %mul3A_0, %arg0 : i32
    %mul3A_1 = arith.constant 64 : i32
    %mul3A_2 = arith.muli %add3A, %mul3A_1 : i32
    %run_scoped3A = arith.constant 1 : i32
    "tpu.region"() ({
      %run_scoped3A_31 = tpu.sem_alloc : memref<!tpu.dma_semaphore, #tpu.memory_space<semaphore_mem>>
      %dma_start3A_32 = tpu.memref_slice %arg4[%run_scoped3A, %mul3A_2] : memref<2x2048xi32, #tpu.memory_space<hbm>> -> memref<1x64xi32, #tpu.memory_space<hbm>>
      %dma_start3A_33 = tpu.memref_squeeze %dma_start3A_32 : memref<1x64xi32, #tpu.memory_space<hbm>> -> memref<64xi32, #tpu.memory_space<hbm>>
      %dma_start3A_34 = tpu.memref_slice %arg4[%run_scoped3A, %mul3A_2] : memref<2x2048xi32, #tpu.memory_space<hbm>> -> memref<1x64xi32, #tpu.memory_space<hbm>>
      %dma_start3A_35 = tpu.memref_squeeze %dma_start3A_34 : memref<1x64xi32, #tpu.memory_space<hbm>> -> memref<64xi32, #tpu.memory_space<hbm>>
      tpu.enqueue_dma source(%dma_start3A_35 : memref<64xi32, #tpu.memory_space<hbm>>) target(%arg8 : memref<64xi32, #tpu.memory_space<vmem>>) target_semaphore(%run_scoped3A_31 : memref<!tpu.dma_semaphore, #tpu.memory_space<semaphore_mem>>)
      %dma_wait3A_36 = tpu.memref_slice %arg4[%run_scoped3A, %mul3A_2] : memref<2x2048xi32, #tpu.memory_space<hbm>> -> memref<1x64xi32, #tpu.memory_space<hbm>>
      %dma_wait3A_37 = tpu.memref_squeeze %dma_wait3A_36 : memref<1x64xi32, #tpu.memory_space<hbm>> -> memref<64xi32, #tpu.memory_space<hbm>>
      %dma_wait3A_38 = tpu.memref_slice %arg4[%run_scoped3A, %mul3A_2] : memref<2x2048xi32, #tpu.memory_space<hbm>> -> memref<1x64xi32, #tpu.memory_space<hbm>>
      %dma_wait3A_39 = tpu.memref_squeeze %dma_wait3A_38 : memref<1x64xi32, #tpu.memory_space<hbm>> -> memref<64xi32, #tpu.memory_space<hbm>>
      tpu.wait_dma2 semaphore(%run_scoped3A_31 : memref<!tpu.dma_semaphore, #tpu.memory_space<semaphore_mem>>) src(%dma_wait3A_39 : memref<64xi32, #tpu.memory_space<hbm>>) dst(%arg8 : memref<64xi32, #tpu.memory_space<vmem>>)
      tpu.yield
    }) : () -> ()
    %run_scoped3A_3 = arith.constant 0 : i32
    "tpu.region"() ({
      %run_scoped3A_31 = tpu.sem_alloc : memref<!tpu.dma_semaphore, #tpu.memory_space<semaphore_mem>>
      %dma_start3A_32 = tpu.memref_slice %arg4[%run_scoped3A_3, %mul3A_2] : memref<2x2048xi32, #tpu.memory_space<hbm>> -> memref<1x64xi32, #tpu.memory_space<hbm>>
      %dma_start3A_33 = tpu.memref_squeeze %dma_start3A_32 : memref<1x64xi32, #tpu.memory_space<hbm>> -> memref<64xi32, #tpu.memory_space<hbm>>
      %dma_start3A_34 = tpu.memref_slice %arg4[%run_scoped3A_3, %mul3A_2] : memref<2x2048xi32, #tpu.memory_space<hbm>> -> memref<1x64xi32, #tpu.memory_space<hbm>>
      %dma_start3A_35 = tpu.memref_squeeze %dma_start3A_34 : memref<1x64xi32, #tpu.memory_space<hbm>> -> memref<64xi32, #tpu.memory_space<hbm>>
      tpu.enqueue_dma source(%dma_start3A_35 : memref<64xi32, #tpu.memory_space<hbm>>) target(%arg9 : memref<64xi32, #tpu.memory_space<vmem>>) target_semaphore(%run_scoped3A_31 : memref<!tpu.dma_semaphore, #tpu.memory_space<semaphore_mem>>)
      %dma_wait3A_36 = tpu.memref_slice %arg4[%run_scoped3A_3, %mul3A_2] : memref<2x2048xi32, #tpu.memory_space<hbm>> -> memref<1x64xi32, #tpu.memory_space<hbm>>
      %dma_wait3A_37 = tpu.memref_squeeze %dma_wait3A_36 : memref<1x64xi32, #tpu.memory_space<hbm>> -> memref<64xi32, #tpu.memory_space<hbm>>
      %dma_wait3A_38 = tpu.memref_slice %arg4[%run_scoped3A_3, %mul3A_2] : memref<2x2048xi32, #tpu.memory_space<hbm>> -> memref<1x64xi32, #tpu.memory_space<hbm>>
      %dma_wait3A_39 = tpu.memref_squeeze %dma_wait3A_38 : memref<1x64xi32, #tpu.memory_space<hbm>> -> memref<64xi32, #tpu.memory_space<hbm>>
      tpu.wait_dma2 semaphore(%run_scoped3A_31 : memref<!tpu.dma_semaphore, #tpu.memory_space<semaphore_mem>>) src(%dma_wait3A_39 : memref<64xi32, #tpu.memory_space<hbm>>) dst(%arg9 : memref<64xi32, #tpu.memory_space<vmem>>)
      tpu.yield
    }) : () -> ()
    %dma_start3A = arith.constant 0 : i32
    %dma_start3A_4 = arith.constant 0 : i32
    %dma_start3A_5 = tpu.memref_slice %arg2[%dma_start3A, %dma_start3A_4] : memref<1024x128xf32, #tpu.memory_space<hbm>> -> memref<1024x128xf32, #tpu.memory_space<hbm>>
    tpu.enqueue_indirect_dma source(%dma_start3A_5 : memref<1024x128xf32, #tpu.memory_space<hbm>>) target(%arg10 : memref<64x128xf32, #tpu.memory_space<vmem>>) offsets(%arg8 : memref<64xi32, #tpu.memory_space<vmem>>) semaphore(%arg14 : memref<!tpu.dma_semaphore, #tpu.memory_space<semaphore_mem>>)
    %dma_start3A_6 = arith.constant 0 : i32
    %dma_start3A_7 = arith.constant 0 : i32
    %dma_start3A_8 = tpu.memref_slice %arg2[%dma_start3A_6, %dma_start3A_7] : memref<1024x128xf32, #tpu.memory_space<hbm>> -> memref<1024x128xf32, #tpu.memory_space<hbm>>
    tpu.enqueue_indirect_dma source(%dma_start3A_8 : memref<1024x128xf32, #tpu.memory_space<hbm>>) target(%arg11 : memref<64x128xf32, #tpu.memory_space<vmem>>) offsets(%arg9 : memref<64xi32, #tpu.memory_space<vmem>>) semaphore(%arg14 : memref<!tpu.dma_semaphore, #tpu.memory_space<semaphore_mem>>)
    %dma_start3A_9 = arith.constant 0 : i32
    %dma_start3A_10 = arith.constant 0 : i32
    %dma_start3A_11 = tpu.memref_slice %arg3[%dma_start3A_9, %dma_start3A_10] : memref<1024x128xf32, #tpu.memory_space<hbm>> -> memref<1024x128xf32, #tpu.memory_space<hbm>>
    tpu.enqueue_indirect_dma source(%dma_start3A_11 : memref<1024x128xf32, #tpu.memory_space<hbm>>) target(%arg12 : memref<64x128xf32, #tpu.memory_space<vmem>>) offsets(%arg8 : memref<64xi32, #tpu.memory_space<vmem>>) semaphore(%arg14 : memref<!tpu.dma_semaphore, #tpu.memory_space<semaphore_mem>>)
    %dma_start3A_12 = arith.constant 0 : i32
    %dma_start3A_13 = arith.constant 0 : i32
    %dma_start3A_14 = tpu.memref_slice %arg3[%dma_start3A_12, %dma_start3A_13] : memref<1024x128xf32, #tpu.memory_space<hbm>> -> memref<1024x128xf32, #tpu.memory_space<hbm>>
    tpu.enqueue_indirect_dma source(%dma_start3A_14 : memref<1024x128xf32, #tpu.memory_space<hbm>>) target(%arg13 : memref<64x128xf32, #tpu.memory_space<vmem>>) offsets(%arg9 : memref<64xi32, #tpu.memory_space<vmem>>) semaphore(%arg14 : memref<!tpu.dma_semaphore, #tpu.memory_space<semaphore_mem>>)
    %dma_wait3A = arith.constant 0 : i32
    %dma_wait3A_15 = arith.constant 0 : i32
    %dma_wait3A_16 = tpu.memref_slice %arg2[%dma_wait3A, %dma_wait3A_15] : memref<1024x128xf32, #tpu.memory_space<hbm>> -> memref<1024x128xf32, #tpu.memory_space<hbm>>
    tpu.wait_indirect_dma semaphore(%arg14 : memref<!tpu.dma_semaphore, #tpu.memory_space<semaphore_mem>>) src(%dma_wait3A_16 : memref<1024x128xf32, #tpu.memory_space<hbm>>) dst(%arg10 : memref<64x128xf32, #tpu.memory_space<vmem>>)
    "tpu.region"() ({
      %run_scoped3A_31 = tpu.sem_alloc : memref<!tpu.dma_semaphore, #tpu.memory_space<semaphore_mem>>
      %dma_start3A_32 = arith.constant 0 : i32
      %dma_start3A_33 = tpu.memref_slice %arg5[%mul3A_2, %dma_start3A_32] : memref<2048x128xf32, #tpu.memory_space<hbm>> -> memref<64x128xf32, #tpu.memory_space<hbm>>
      %dma_start3A_34 = arith.constant 0 : i32
      %dma_start3A_35 = tpu.memref_slice %arg5[%mul3A_2, %dma_start3A_34] : memref<2048x128xf32, #tpu.memory_space<hbm>> -> memref<64x128xf32, #tpu.memory_space<hbm>>
      tpu.enqueue_dma source(%arg10 : memref<64x128xf32, #tpu.memory_space<vmem>>) target(%dma_start3A_35 : memref<64x128xf32, #tpu.memory_space<hbm>>) target_semaphore(%run_scoped3A_31 : memref<!tpu.dma_semaphore, #tpu.memory_space<semaphore_mem>>)
      %dma_wait3A_36 = arith.constant 0 : i32
      %dma_wait3A_37 = tpu.memref_slice %arg5[%mul3A_2, %dma_wait3A_36] : memref<2048x128xf32, #tpu.memory_space<hbm>> -> memref<64x128xf32, #tpu.memory_space<hbm>>
      %dma_wait3A_38 = arith.constant 0 : i32
      %dma_wait3A_39 = tpu.memref_slice %arg5[%mul3A_2, %dma_wait3A_38] : memref<2048x128xf32, #tpu.memory_space<hbm>> -> memref<64x128xf32, #tpu.memory_space<hbm>>
      tpu.wait_dma2 semaphore(%run_scoped3A_31 : memref<!tpu.dma_semaphore, #tpu.memory_space<semaphore_mem>>) src(%arg10 : memref<64x128xf32, #tpu.memory_space<vmem>>) dst(%dma_wait3A_39 : memref<64x128xf32, #tpu.memory_space<hbm>>)
      tpu.yield
    }) : () -> ()
    %dma_wait3A_17 = arith.constant 0 : i32
    %dma_wait3A_18 = arith.constant 0 : i32
    %dma_wait3A_19 = tpu.memref_slice %arg2[%dma_wait3A_17, %dma_wait3A_18] : memref<1024x128xf32, #tpu.memory_space<hbm>> -> memref<1024x128xf32, #tpu.memory_space<hbm>>
    tpu.wait_indirect_dma semaphore(%arg14 : memref<!tpu.dma_semaphore, #tpu.memory_space<semaphore_mem>>) src(%dma_wait3A_19 : memref<1024x128xf32, #tpu.memory_space<hbm>>) dst(%arg11 : memref<64x128xf32, #tpu.memory_space<vmem>>)
    "tpu.region"() ({
      %run_scoped3A_31 = tpu.sem_alloc : memref<!tpu.dma_semaphore, #tpu.memory_space<semaphore_mem>>
      %dma_start3A_32 = arith.constant 0 : i32
      %dma_start3A_33 = tpu.memref_slice %arg6[%mul3A_2, %dma_start3A_32] : memref<2048x128xf32, #tpu.memory_space<hbm>> -> memref<64x128xf32, #tpu.memory_space<hbm>>
      %dma_start3A_34 = arith.constant 0 : i32
      %dma_start3A_35 = tpu.memref_slice %arg6[%mul3A_2, %dma_start3A_34] : memref<2048x128xf32, #tpu.memory_space<hbm>> -> memref<64x128xf32, #tpu.memory_space<hbm>>
      tpu.enqueue_dma source(%arg11 : memref<64x128xf32, #tpu.memory_space<vmem>>) target(%dma_start3A_35 : memref<64x128xf32, #tpu.memory_space<hbm>>) target_semaphore(%run_scoped3A_31 : memref<!tpu.dma_semaphore, #tpu.memory_space<semaphore_mem>>)
      %dma_wait3A_36 = arith.constant 0 : i32
      %dma_wait3A_37 = tpu.memref_slice %arg6[%mul3A_2, %dma_wait3A_36] : memref<2048x128xf32, #tpu.memory_space<hbm>> -> memref<64x128xf32, #tpu.memory_space<hbm>>
      %dma_wait3A_38 = arith.constant 0 : i32
      %dma_wait3A_39 = tpu.memref_slice %arg6[%mul3A_2, %dma_wait3A_38] : memref<2048x128xf32, #tpu.memory_space<hbm>> -> memref<64x128xf32, #tpu.memory_space<hbm>>
      tpu.wait_dma2 semaphore(%run_scoped3A_31 : memref<!tpu.dma_semaphore, #tpu.memory_space<semaphore_mem>>) src(%arg11 : memref<64x128xf32, #tpu.memory_space<vmem>>) dst(%dma_wait3A_39 : memref<64x128xf32, #tpu.memory_space<hbm>>)
      tpu.yield
    }) : () -> ()
    %dma_wait3A_20 = arith.constant 0 : i32
    %dma_wait3A_21 = arith.constant 0 : i32
    %dma_wait3A_22 = tpu.memref_slice %arg3[%dma_wait3A_20, %dma_wait3A_21] : memref<1024x128xf32, #tpu.memory_space<hbm>> -> memref<1024x128xf32, #tpu.memory_space<hbm>>
    tpu.wait_indirect_dma semaphore(%arg14 : memref<!tpu.dma_semaphore, #tpu.memory_space<semaphore_mem>>) src(%dma_wait3A_22 : memref<1024x128xf32, #tpu.memory_space<hbm>>) dst(%arg12 : memref<64x128xf32, #tpu.memory_space<vmem>>)
    %dma_wait3A_23 = arith.constant 0 : i32
    %dma_wait3A_24 = arith.constant 0 : i32
    %dma_wait3A_25 = tpu.memref_slice %arg3[%dma_wait3A_23, %dma_wait3A_24] : memref<1024x128xf32, #tpu.memory_space<hbm>> -> memref<1024x128xf32, #tpu.memory_space<hbm>>
    tpu.wait_indirect_dma semaphore(%arg14 : memref<!tpu.dma_semaphore, #tpu.memory_space<semaphore_mem>>) src(%dma_wait3A_25 : memref<1024x128xf32, #tpu.memory_space<hbm>>) dst(%arg13 : memref<64x128xf32, #tpu.memory_space<vmem>>)
    %scan3A = arith.constant 0 : i32
    %scan3A_26 = arith.constant 0 : i32
    %scan3A_27 = arith.constant 64 : i32
    %scan3A_28 = arith.addi %scan3A_26, %scan3A_27 : i32
    %scan3A_29 = arith.constant 1 : i32
    scf.for %scan3A_31 = %scan3A_26 to %scan3A_28 step %scan3A_29  : i32 {
      %get3A = arith.index_cast %scan3A_31 : i32 to index
      %get3A_32 = arith.constant 0 : index
      %get3A_33 = tpu.vector_load %arg12[%get3A, %get3A_32] {strides = array<i32>} : memref<64x128xf32, #tpu.memory_space<vmem>>, vector<1x16xf32>,
      %get3A_34 = vector.shape_cast %get3A_33 : vector<1x16xf32> to vector<16xf32>
      %get3A_35 = arith.index_cast %scan3A_31 : i32 to index
      %get3A_36 = arith.constant 0 : index
      %get3A_37 = tpu.vector_load %arg13[%get3A_35, %get3A_36] {strides = array<i32>} : memref<64x128xf32, #tpu.memory_space<vmem>>, vector<1x16xf32>,
      %get3A_38 = vector.shape_cast %get3A_37 : vector<1x16xf32> to vector<16xf32>
      %sub3A = arith.subf %get3A_34, %get3A_38 : vector<16xf32>
      %swap3A = arith.index_cast %scan3A_31 : i32 to index
      %swap3A_39 = arith.constant 0 : index
      %swap3A_40 = tpu.vector_load %arg12[%swap3A, %swap3A_39] {strides = array<i32>} : memref<64x128xf32, #tpu.memory_space<vmem>>, vector<1x16xf32>,
      %swap3A_41 = vector.shape_cast %swap3A_40 : vector<1x16xf32> to vector<16xf32>
      %swap3A_42 = vector.shape_cast %sub3A : vector<16xf32> to vector<1x16xf32>
      tpu.vector_store %arg12[%swap3A, %swap3A_39], %swap3A_42 {strides = array<i32>} : memref<64x128xf32, #tpu.memory_space<vmem>>, vector<1x16xf32>,
      %get3A_43 = arith.index_cast %scan3A_31 : i32 to index
      %get3A_44 = arith.constant 16 : index
      %get3A_45 = tpu.vector_load %arg12[%get3A_43, %get3A_44] {strides = array<i32>} : memref<64x128xf32, #tpu.memory_space<vmem>>, vector<1x16xf32>,
      %get3A_46 = vector.shape_cast %get3A_45 : vector<1x16xf32> to vector<16xf32>
      %get3A_47 = arith.index_cast %scan3A_31 : i32 to index
      %get3A_48 = arith.constant 16 : index
      %get3A_49 = tpu.vector_load %arg13[%get3A_47, %get3A_48] {strides = array<i32>} : memref<64x128xf32, #tpu.memory_space<vmem>>, vector<1x16xf32>,
      %get3A_50 = vector.shape_cast %get3A_49 : vector<1x16xf32> to vector<16xf32>
      %sub3A_51 = arith.subf %get3A_46, %get3A_50 : vector<16xf32>
      %swap3A_52 = arith.index_cast %scan3A_31 : i32 to index
      %swap3A_53 = arith.constant 16 : index
      %swap3A_54 = tpu.vector_load %arg12[%swap3A_52, %swap3A_53] {strides = array<i32>} : memref<64x128xf32, #tpu.memory_space<vmem>>, vector<1x16xf32>,
      %swap3A_55 = vector.shape_cast %swap3A_54 : vector<1x16xf32> to vector<16xf32>
      %swap3A_56 = vector.shape_cast %sub3A_51 : vector<16xf32> to vector<1x16xf32>
      tpu.vector_store %arg12[%swap3A_52, %swap3A_53], %swap3A_56 {strides = array<i32>} : memref<64x128xf32, #tpu.memory_space<vmem>>, vector<1x16xf32>,
      %get3A_57 = arith.index_cast %scan3A_31 : i32 to index
      %get3A_58 = arith.constant 32 : index
      %get3A_59 = tpu.vector_load %arg12[%get3A_57, %get3A_58] {strides = array<i32>} : memref<64x128xf32, #tpu.memory_space<vmem>>, vector<1x16xf32>,
      %get3A_60 = vector.shape_cast %get3A_59 : vector<1x16xf32> to vector<16xf32>
      %get3A_61 = arith.index_cast %scan3A_31 : i32 to index
      %get3A_62 = arith.constant 32 : index
      %get3A_63 = tpu.vector_load %arg13[%get3A_61, %get3A_62] {strides = array<i32>} : memref<64x128xf32, #tpu.memory_space<vmem>>, vector<1x16xf32>,
      %get3A_64 = vector.shape_cast %get3A_63 : vector<1x16xf32> to vector<16xf32>
      %sub3A_65 = arith.subf %get3A_60, %get3A_64 : vector<16xf32>
      %swap3A_66 = arith.index_cast %scan3A_31 : i32 to index
      %swap3A_67 = arith.constant 32 : index
      %swap3A_68 = tpu.vector_load %arg12[%swap3A_66, %swap3A_67] {strides = array<i32>} : memref<64x128xf32, #tpu.memory_space<vmem>>, vector<1x16xf32>,
      %swap3A_69 = vector.shape_cast %swap3A_68 : vector<1x16xf32> to vector<16xf32>
      %swap3A_70 = vector.shape_cast %sub3A_65 : vector<16xf32> to vector<1x16xf32>
      tpu.vector_store %arg12[%swap3A_66, %swap3A_67], %swap3A_70 {strides = array<i32>} : memref<64x128xf32, #tpu.memory_space<vmem>>, vector<1x16xf32>,
      %get3A_71 = arith.index_cast %scan3A_31 : i32 to index
      %get3A_72 = arith.constant 48 : index
      %get3A_73 = tpu.vector_load %arg12[%get3A_71, %get3A_72] {strides = array<i32>} : memref<64x128xf32, #tpu.memory_space<vmem>>, vector<1x16xf32>,
      %get3A_74 = vector.shape_cast %get3A_73 : vector<1x16xf32> to vector<16xf32>
      %get3A_75 = arith.index_cast %scan3A_31 : i32 to index
      %get3A_76 = arith.constant 48 : index
      %get3A_77 = tpu.vector_load %arg13[%get3A_75, %get3A_76] {strides = array<i32>} : memref<64x128xf32, #tpu.memory_space<vmem>>, vector<1x16xf32>,
      %get3A_78 = vector.shape_cast %get3A_77 : vector<1x16xf32> to vector<16xf32>
      %sub3A_79 = arith.subf %get3A_74, %get3A_78 : vector<16xf32>
      %swap3A_80 = arith.index_cast %scan3A_31 : i32 to index
      %swap3A_81 = arith.constant 48 : index
      %swap3A_82 = tpu.vector_load %arg12[%swap3A_80, %swap3A_81] {strides = array<i32>} : memref<64x128xf32, #tpu.memory_space<vmem>>, vector<1x16xf32>,
      %swap3A_83 = vector.shape_cast %swap3A_82 : vector<1x16xf32> to vector<16xf32>
      %swap3A_84 = vector.shape_cast %sub3A_79 : vector<16xf32> to vector<1x16xf32>
      tpu.vector_store %arg12[%swap3A_80, %swap3A_81], %swap3A_84 {strides = array<i32>} : memref<64x128xf32, #tpu.memory_space<vmem>>, vector<1x16xf32>,
      %get3A_85 = arith.index_cast %scan3A_31 : i32 to index
      %get3A_86 = arith.constant 64 : index
      %get3A_87 = tpu.vector_load %arg12[%get3A_85, %get3A_86] {strides = array<i32>} : memref<64x128xf32, #tpu.memory_space<vmem>>, vector<1x16xf32>,
      %get3A_88 = vector.shape_cast %get3A_87 : vector<1x16xf32> to vector<16xf32>
      %get3A_89 = arith.index_cast %scan3A_31 : i32 to index
      %get3A_90 = arith.constant 64 : index
      %get3A_91 = tpu.vector_load %arg13[%get3A_89, %get3A_90] {strides = array<i32>} : memref<64x128xf32, #tpu.memory_space<vmem>>, vector<1x16xf32>,
      %get3A_92 = vector.shape_cast %get3A_91 : vector<1x16xf32> to vector<16xf32>
      %sub3A_93 = arith.subf %get3A_88, %get3A_92 : vector<16xf32>
      %swap3A_94 = arith.index_cast %scan3A_31 : i32 to index
      %swap3A_95 = arith.constant 64 : index
      %swap3A_96 = tpu.vector_load %arg12[%swap3A_94, %swap3A_95] {strides = array<i32>} : memref<64x128xf32, #tpu.memory_space<vmem>>, vector<1x16xf32>,
      %swap3A_97 = vector.shape_cast %swap3A_96 : vector<1x16xf32> to vector<16xf32>
      %swap3A_98 = vector.shape_cast %sub3A_93 : vector<16xf32> to vector<1x16xf32>
      tpu.vector_store %arg12[%swap3A_94, %swap3A_95], %swap3A_98 {strides = array<i32>} : memref<64x128xf32, #tpu.memory_space<vmem>>, vector<1x16xf32>,
      %get3A_99 = arith.index_cast %scan3A_31 : i32 to index
      %get3A_100 = arith.constant 80 : index
      %get3A_101 = tpu.vector_load %arg12[%get3A_99, %get3A_100] {strides = array<i32>} : memref<64x128xf32, #tpu.memory_space<vmem>>, vector<1x16xf32>,
      %get3A_102 = vector.shape_cast %get3A_101 : vector<1x16xf32> to vector<16xf32>
      %get3A_103 = arith.index_cast %scan3A_31 : i32 to index
      %get3A_104 = arith.constant 80 : index
      %get3A_105 = tpu.vector_load %arg13[%get3A_103, %get3A_104] {strides = array<i32>} : memref<64x128xf32, #tpu.memory_space<vmem>>, vector<1x16xf32>,
      %get3A_106 = vector.shape_cast %get3A_105 : vector<1x16xf32> to vector<16xf32>
      %sub3A_107 = arith.subf %get3A_102, %get3A_106 : vector<16xf32>
      %swap3A_108 = arith.index_cast %scan3A_31 : i32 to index
      %swap3A_109 = arith.constant 80 : index
      %swap3A_110 = tpu.vector_load %arg12[%swap3A_108, %swap3A_109] {strides = array<i32>} : memref<64x128xf32, #tpu.memory_space<vmem>>, vector<1x16xf32>,
      %swap3A_111 = vector.shape_cast %swap3A_110 : vector<1x16xf32> to vector<16xf32>
      %swap3A_112 = vector.shape_cast %sub3A_107 : vector<16xf32> to vector<1x16xf32>
      tpu.vector_store %arg12[%swap3A_108, %swap3A_109], %swap3A_112 {strides = array<i32>} : memref<64x128xf32, #tpu.memory_space<vmem>>, vector<1x16xf32>,
      %get3A_113 = arith.index_cast %scan3A_31 : i32 to index
      %get3A_114 = arith.constant 96 : index
      %get3A_115 = tpu.vector_load %arg12[%get3A_113, %get3A_114] {strides = array<i32>} : memref<64x128xf32, #tpu.memory_space<vmem>>, vector<1x16xf32>,
      %get3A_116 = vector.shape_cast %get3A_115 : vector<1x16xf32> to vector<16xf32>
      %get3A_117 = arith.index_cast %scan3A_31 : i32 to index
      %get3A_118 = arith.constant 96 : index
      %get3A_119 = tpu.vector_load %arg13[%get3A_117, %get3A_118] {strides = array<i32>} : memref<64x128xf32, #tpu.memory_space<vmem>>, vector<1x16xf32>,
      %get3A_120 = vector.shape_cast %get3A_119 : vector<1x16xf32> to vector<16xf32>
      %sub3A_121 = arith.subf %get3A_116, %get3A_120 : vector<16xf32>
      %swap3A_122 = arith.index_cast %scan3A_31 : i32 to index
      %swap3A_123 = arith.constant 96 : index
      %swap3A_124 = tpu.vector_load %arg12[%swap3A_122, %swap3A_123] {strides = array<i32>} : memref<64x128xf32, #tpu.memory_space<vmem>>, vector<1x16xf32>,
      %swap3A_125 = vector.shape_cast %swap3A_124 : vector<1x16xf32> to vector<16xf32>
      %swap3A_126 = vector.shape_cast %sub3A_121 : vector<16xf32> to vector<1x16xf32>
      tpu.vector_store %arg12[%swap3A_122, %swap3A_123], %swap3A_126 {strides = array<i32>} : memref<64x128xf32, #tpu.memory_space<vmem>>, vector<1x16xf32>,
      %get3A_127 = arith.index_cast %scan3A_31 : i32 to index
      %get3A_128 = arith.constant 112 : index
      %get3A_129 = tpu.vector_load %arg12[%get3A_127, %get3A_128] {strides = array<i32>} : memref<64x128xf32, #tpu.memory_space<vmem>>, vector<1x16xf32>,
      %get3A_130 = vector.shape_cast %get3A_129 : vector<1x16xf32> to vector<16xf32>
      %get3A_131 = arith.index_cast %scan3A_31 : i32 to index
      %get3A_132 = arith.constant 112 : index
      %get3A_133 = tpu.vector_load %arg13[%get3A_131, %get3A_132] {strides = array<i32>} : memref<64x128xf32, #tpu.memory_space<vmem>>, vector<1x16xf32>,
      %get3A_134 = vector.shape_cast %get3A_133 : vector<1x16xf32> to vector<16xf32>
      %sub3A_135 = arith.subf %get3A_130, %get3A_134 : vector<16xf32>
      %swap3A_136 = arith.index_cast %scan3A_31 : i32 to index
      %swap3A_137 = arith.constant 112 : index
      %swap3A_138 = tpu.vector_load %arg12[%swap3A_136, %swap3A_137] {strides = array<i32>} : memref<64x128xf32, #tpu.memory_space<vmem>>, vector<1x16xf32>,
      %swap3A_139 = vector.shape_cast %swap3A_138 : vector<1x16xf32> to vector<16xf32>
      %swap3A_140 = vector.shape_cast %sub3A_135 : vector<16xf32> to vector<1x16xf32>
      tpu.vector_store %arg12[%swap3A_136, %swap3A_137], %swap3A_140 {strides = array<i32>} : memref<64x128xf32, #tpu.memory_space<vmem>>, vector<1x16xf32>,
    }
    %scan3A_30 = arith.constant 64 : i32
    "tpu.region"() ({
      %run_scoped3A_31 = tpu.sem_alloc : memref<!tpu.dma_semaphore, #tpu.memory_space<semaphore_mem>>
      %dma_start3A_32 = arith.constant 0 : i32
      %dma_start3A_33 = tpu.memref_slice %arg7[%mul3A_2, %dma_start3A_32] : memref<2048x128xf32, #tpu.memory_space<hbm>> -> memref<64x128xf32, #tpu.memory_space<hbm>>
      %dma_start3A_34 = arith.constant 0 : i32
      %dma_start3A_35 = tpu.memref_slice %arg7[%mul3A_2, %dma_start3A_34] : memref<2048x128xf32, #tpu.memory_space<hbm>> -> memref<64x128xf32, #tpu.memory_space<hbm>>
      tpu.enqueue_dma source(%arg12 : memref<64x128xf32, #tpu.memory_space<vmem>>) target(%dma_start3A_35 : memref<64x128xf32, #tpu.memory_space<hbm>>) target_semaphore(%run_scoped3A_31 : memref<!tpu.dma_semaphore, #tpu.memory_space<semaphore_mem>>)
      %dma_wait3A_36 = arith.constant 0 : i32
      %dma_wait3A_37 = tpu.memref_slice %arg7[%mul3A_2, %dma_wait3A_36] : memref<2048x128xf32, #tpu.memory_space<hbm>> -> memref<64x128xf32, #tpu.memory_space<hbm>>
      %dma_wait3A_38 = arith.constant 0 : i32
      %dma_wait3A_39 = tpu.memref_slice %arg7[%mul3A_2, %dma_wait3A_38] : memref<2048x128xf32, #tpu.memory_space<hbm>> -> memref<64x128xf32, #tpu.memory_space<hbm>>
      tpu.wait_dma2 semaphore(%run_scoped3A_31 : memref<!tpu.dma_semaphore, #tpu.memory_space<semaphore_mem>>) src(%arg12 : memref<64x128xf32, #tpu.memory_space<vmem>>) dst(%dma_wait3A_39 : memref<64x128xf32, #tpu.memory_space<hbm>>)
      tpu.yield
    }) : () -> ()
    return
  }
}

module attributes {stable_mosaic.version = 14 : i64} {
  func.func @body(%arg0: i32, %arg1: memref<2048x128xf32, #tpu.memory_space<vmem>>, %arg2: memref<2048x128xf32, #tpu.memory_space<vmem>>, %arg3: memref<2048x128xf32, #tpu.memory_space<vmem>>, %arg4: memref<2048x1xf32, #tpu.memory_space<vmem>>, %arg5: memref<1024x128xf32, #tpu.memory_space<vmem>>, %arg6: memref<1024x128xf32, #tpu.memory_space<vmem>>, %arg7: memref<1024x128xf32, #tpu.memory_space<vmem>>, %arg8: memref<128x128xf32, #tpu.memory_space<vmem>>, %arg9: memref<1x128xf32, #tpu.memory_space<vmem>>, %arg10: memref<128x128xf32, #tpu.memory_space<vmem>>, %arg11: memref<1x128xf32, #tpu.memory_space<vmem>>, %arg12: memref<1024x384xf32, #tpu.memory_space<vmem>>, %arg13: memref<1x1024xf32, #tpu.memory_space<vmem>>, %arg14: memref<1024x64xf32, #tpu.memory_space<vmem>>, %arg15: memref<1x1024xf32, #tpu.memory_space<vmem>>, %arg16: memref<1x64xf32, #tpu.memory_space<vmem>>, %arg17: memref<2x2048xi32, #tpu.memory_space<vmem>>, %arg18: memref<128x1024xf32, #tpu.memory_space<vmem>>, %arg19: memref<1x128xf32, #tpu.memory_space<vmem>>, %arg20: memref<1x128xf32, #tpu.memory_space<vmem>>, %arg21: memref<1x128xf32, #tpu.memory_space<vmem>>, %arg22: memref<128x128xf32, #tpu.memory_space<vmem>>, %arg23: memref<1x128xf32, #tpu.memory_space<vmem>>, %arg24: memref<128x128xf32, #tpu.memory_space<vmem>>, %arg25: memref<1x128xf32, #tpu.memory_space<vmem>>, %arg26: memref<128x128xf32, #tpu.memory_space<vmem>>, %arg27: memref<1x128xf32, #tpu.memory_space<vmem>>, %arg28: memref<1024x128xf32, #tpu.memory_space<vmem>>, %arg29: memref<2048x1024xbf16, #tpu.memory_space<vmem>>, %arg30: memref<1024x2048xbf16, #tpu.memory_space<vmem>>, %arg31: memref<2048x128xbf16, #tpu.memory_space<vmem>>, %arg32: memref<1024x2048xbf16, #tpu.memory_space<vmem>>, %arg33: memref<1024x2048xbf16, #tpu.memory_space<vmem>>, %arg34: memref<2048x128xbf16, #tpu.memory_space<vmem>>) attributes {dimension_semantics = [#tpu.dimension_semantics<arbitrary>], iteration_bounds = array<i64: 3>, scalar_prefetch = 0 : i64, scratch_operands = 6 : i64, tpu.core_type = #tpu.core_type<tc>, window_params = [{pipeline_mode = #tpu.pipeline_mode<synchronous>, transform_indices = @transform_0, window_bounds = array<i64: 2048, 128>}, {pipeline_mode = #tpu.pipeline_mode<synchronous>, transform_indices = @transform_1, window_bounds = array<i64: 2048, 128>}, {pipeline_mode = #tpu.pipeline_mode<synchronous>, transform_indices = @transform_2, window_bounds = array<i64: 2048, 128>}, {pipeline_mode = #tpu.pipeline_mode<synchronous>, transform_indices = @transform_3, window_bounds = array<i64: 2048, 1>}, {pipeline_mode = #tpu.pipeline_mode<synchronous>, transform_indices = @transform_4, window_bounds = array<i64: 1024, 128>}, {pipeline_mode = #tpu.pipeline_mode<synchronous>, transform_indices = @transform_5, window_bounds = array<i64: 1024, 128>}, {pipeline_mode = #tpu.pipeline_mode<synchronous>, transform_indices = @transform_6, window_bounds = array<i64: 1024, 128>}, {pipeline_mode = #tpu.pipeline_mode<synchronous>, transform_indices = @transform_7, window_bounds = array<i64: 128, 128>}, {pipeline_mode = #tpu.pipeline_mode<synchronous>, transform_indices = @transform_8, window_bounds = array<i64: 1, 128>}, {pipeline_mode = #tpu.pipeline_mode<synchronous>, transform_indices = @transform_9, window_bounds = array<i64: 128, 128>}, {pipeline_mode = #tpu.pipeline_mode<synchronous>, transform_indices = @transform_10, window_bounds = array<i64: 1, 128>}, {pipeline_mode = #tpu.pipeline_mode<synchronous>, transform_indices = @transform_11, window_bounds = array<i64: 1024, 384>}, {pipeline_mode = #tpu.pipeline_mode<synchronous>, transform_indices = @transform_12, window_bounds = array<i64: 1, 1024>}, {pipeline_mode = #tpu.pipeline_mode<synchronous>, transform_indices = @transform_13, window_bounds = array<i64: 1024, 64>}, {pipeline_mode = #tpu.pipeline_mode<synchronous>, transform_indices = @transform_14, window_bounds = array<i64: 1, 1024>}, {pipeline_mode = #tpu.pipeline_mode<synchronous>, transform_indices = @transform_15, window_bounds = array<i64: 1, 64>}, {pipeline_mode = #tpu.pipeline_mode<synchronous>, transform_indices = @transform_16, window_bounds = array<i64: 2, 2048>}, {pipeline_mode = #tpu.pipeline_mode<synchronous>, transform_indices = @transform_17, window_bounds = array<i64: 128, 1024>}, {pipeline_mode = #tpu.pipeline_mode<synchronous>, transform_indices = @transform_18, window_bounds = array<i64: 1, 128>}, {pipeline_mode = #tpu.pipeline_mode<synchronous>, transform_indices = @transform_19, window_bounds = array<i64: 1, 128>}, {pipeline_mode = #tpu.pipeline_mode<synchronous>, transform_indices = @transform_20, window_bounds = array<i64: 1, 128>}, {pipeline_mode = #tpu.pipeline_mode<synchronous>, transform_indices = @transform_21, window_bounds = array<i64: 128, 128>}, {pipeline_mode = #tpu.pipeline_mode<synchronous>, transform_indices = @transform_22, window_bounds = array<i64: 1, 128>}, {pipeline_mode = #tpu.pipeline_mode<synchronous>, transform_indices = @transform_23, window_bounds = array<i64: 128, 128>}, {pipeline_mode = #tpu.pipeline_mode<synchronous>, transform_indices = @transform_24, window_bounds = array<i64: 1, 128>}, {pipeline_mode = #tpu.pipeline_mode<synchronous>, transform_indices = @transform_25, window_bounds = array<i64: 128, 128>}, {pipeline_mode = #tpu.pipeline_mode<synchronous>, transform_indices = @transform_26, window_bounds = array<i64: 1, 128>}, {pipeline_mode = #tpu.pipeline_mode<synchronous>, transform_indices = @transform_27, window_bounds = array<i64: 1024, 128>}]} {
    %eq3A = arith.constant 0 : i32
    %eq3A_0 = arith.cmpi eq, %arg0, %eq3A : i32
    %convert_element_type3A = arith.extui %eq3A_0 : i1 to i32
    %cond3A = arith.constant 0 : i32
    %cond3A_1 = arith.cmpi ne, %convert_element_type3A, %cond3A : i32
    scf.if %cond3A_1 {
      %get3A = arith.constant 0 : index
      %get3A_11 = arith.constant 0 : index
      %get3A_12 = vector.load %arg4[%get3A, %get3A_11] : memref<2048x1xf32, #tpu.memory_space<vmem>>, vector<2048x1xf32>
      %get3A_13 = arith.constant 0 : index
      %get3A_14 = arith.constant 0 : index
      %get3A_15 = vector.load %arg1[%get3A_13, %get3A_14] : memref<2048x128xf32, #tpu.memory_space<vmem>>, vector<2048x128xf32>
      %add3A = vector.broadcast %get3A_12 : vector<2048x1xf32> to vector<2048x128xf32>
      %add3A_16 = arith.addf %get3A_15, %add3A : vector<2048x128xf32>
      %get3A_17 = arith.constant 0 : index
      %get3A_18 = arith.constant 0 : index
      %get3A_19 = vector.load %arg2[%get3A_17, %get3A_18] : memref<2048x128xf32, #tpu.memory_space<vmem>>, vector<2048x128xf32>
      %add3A_20 = vector.broadcast %get3A_12 : vector<2048x1xf32> to vector<2048x128xf32>
      %add3A_21 = arith.addf %get3A_19, %add3A_20 : vector<2048x128xf32>
      %get3A_22 = arith.constant 0 : index
      %get3A_23 = arith.constant 0 : index
      %get3A_24 = vector.load %arg5[%get3A_22, %get3A_23] : memref<1024x128xf32, #tpu.memory_space<vmem>>, vector<1024x128xf32>
      %dot_general3A = arith.constant dense<0.000000e+00> : vector<2048x1024xf32>
      %dot_general3A_25 = tpu.matmul %add3A_16, %get3A_24, %dot_general3A {dimension_numbers = #tpu.dot_dimension_numbers<[1], [1], [0], [0], [0, 0, 1, 0], [], []>, transpose_lhs_hint = false} : vector<2048x128xf32>, vector<1024x128xf32>, vector<2048x1024xf32> -> vector<2048x1024xf32>
      %mul3A = arith.constant 0.0883883461 : f32
      %mul3A_26 = vector.broadcast %mul3A : f32 to vector<2048x1024xf32>
      %mul3A_27 = arith.mulf %dot_general3A_25, %mul3A_26 : vector<2048x1024xf32>
      %convert_element_type3A_28 = arith.truncf %mul3A_27 : vector<2048x1024xf32> to vector<2048x1024xbf16>
      %swap3A = arith.constant 0 : index
      %swap3A_29 = arith.constant 0 : index
      %swap3A_30 = vector.load %arg29[%swap3A, %swap3A_29] : memref<2048x1024xbf16, #tpu.memory_space<vmem>>, vector<2048x1024xbf16>
      tpu.vector_store %arg29[%swap3A, %swap3A_29], %convert_element_type3A_28 {strides = array<i32>} : memref<2048x1024xbf16, #tpu.memory_space<vmem>>, vector<2048x1024xbf16>,
      %get3A_31 = arith.constant 0 : index
      %get3A_32 = arith.constant 0 : index
      %get3A_33 = vector.load %arg6[%get3A_31, %get3A_32] : memref<1024x128xf32, #tpu.memory_space<vmem>>, vector<1024x128xf32>
      %dot_general3A_34 = arith.constant dense<0.000000e+00> : vector<1024x2048xf32>
      %dot_general3A_35 = tpu.matmul %get3A_33, %add3A_16, %dot_general3A_34 {dimension_numbers = #tpu.dot_dimension_numbers<[1], [1], [0], [0], [0, 0, 1, 0], [], []>, transpose_lhs_hint = false} : vector<1024x128xf32>, vector<2048x128xf32>, vector<1024x2048xf32> -> vector<1024x2048xf32>
      %convert_element_type3A_36 = arith.truncf %dot_general3A_35 : vector<1024x2048xf32> to vector<1024x2048xbf16>
      %swap3A_37 = arith.constant 0 : index
      %swap3A_38 = arith.constant 0 : index
      %swap3A_39 = vector.load %arg30[%swap3A_37, %swap3A_38] : memref<1024x2048xbf16, #tpu.memory_space<vmem>>, vector<1024x2048xbf16>
      tpu.vector_store %arg30[%swap3A_37, %swap3A_38], %convert_element_type3A_36 {strides = array<i32>} : memref<1024x2048xbf16, #tpu.memory_space<vmem>>, vector<1024x2048xbf16>,
      %get3A_40 = arith.constant 0 : index
      %get3A_41 = arith.constant 0 : index
      %get3A_42 = vector.load %arg7[%get3A_40, %get3A_41] : memref<1024x128xf32, #tpu.memory_space<vmem>>, vector<1024x128xf32>
      %dot_general3A_43 = arith.constant dense<0.000000e+00> : vector<2048x1024xf32>
      %dot_general3A_44 = tpu.matmul %add3A_16, %get3A_42, %dot_general3A_43 {dimension_numbers = #tpu.dot_dimension_numbers<[1], [1], [0], [0], [0, 0, 1, 0], [], []>, transpose_lhs_hint = false} : vector<2048x128xf32>, vector<1024x128xf32>, vector<2048x1024xf32> -> vector<2048x1024xf32>
      %get3A_45 = arith.constant 0 : index
      %get3A_46 = arith.constant 0 : index
      %get3A_47 = vector.load %arg8[%get3A_45, %get3A_46] : memref<128x128xf32, #tpu.memory_space<vmem>>, vector<128x128xf32>
      %dot_general3A_48 = arith.constant dense<0.000000e+00> : vector<2048x128xf32>
      %dot_general3A_49 = tpu.matmul %add3A_16, %get3A_47, %dot_general3A_48 {dimension_numbers = #tpu.dot_dimension_numbers<[1], [1], [0], [0], [0, 0, 1, 0], [], []>, transpose_lhs_hint = false} : vector<2048x128xf32>, vector<128x128xf32>, vector<2048x128xf32> -> vector<2048x128xf32>
      %get3A_50 = arith.constant 0 : index
      %get3A_51 = arith.constant 0 : index
      %get3A_52 = vector.load %arg9[%get3A_50, %get3A_51] : memref<1x128xf32, #tpu.memory_space<vmem>>, vector<1x128xf32>
      %add3A_53 = vector.broadcast %get3A_52 : vector<1x128xf32> to vector<2048x128xf32>
      %add3A_54 = arith.addf %dot_general3A_49, %add3A_53 : vector<2048x128xf32>
      %get3A_55 = arith.constant 0 : index
      %get3A_56 = arith.constant 0 : index
      %get3A_57 = vector.load %arg10[%get3A_55, %get3A_56] : memref<128x128xf32, #tpu.memory_space<vmem>>, vector<128x128xf32>
      %dot_general3A_58 = arith.constant dense<0.000000e+00> : vector<2048x128xf32>
      %dot_general3A_59 = tpu.matmul %add3A_21, %get3A_57, %dot_general3A_58 {dimension_numbers = #tpu.dot_dimension_numbers<[1], [1], [0], [0], [0, 0, 1, 0], [], []>, transpose_lhs_hint = false} : vector<2048x128xf32>, vector<128x128xf32>, vector<2048x128xf32> -> vector<2048x128xf32>
      %get3A_60 = arith.constant 0 : index
      %get3A_61 = arith.constant 0 : index
      %get3A_62 = vector.load %arg11[%get3A_60, %get3A_61] : memref<1x128xf32, #tpu.memory_space<vmem>>, vector<1x128xf32>
      %add3A_63 = vector.broadcast %get3A_62 : vector<1x128xf32> to vector<2048x128xf32>
      %add3A_64 = arith.addf %dot_general3A_59, %add3A_63 : vector<2048x128xf32>
      %add3A_65 = arith.addf %add3A_54, %add3A_64 : vector<2048x128xf32>
      %sub3A = arith.subf %add3A_54, %add3A_64 : vector<2048x128xf32>
      %mul3A_66 = arith.mulf %add3A_54, %add3A_64 : vector<2048x128xf32>
      %concatenate3A = tpu.concatenate %add3A_65, %sub3A, %mul3A_66 in 1 : vector<2048x128xf32>, vector<2048x128xf32>, vector<2048x128xf32> -> vector<2048x384xf32>
      %get3A_67 = arith.constant 0 : index
      %get3A_68 = arith.constant 0 : index
      %get3A_69 = vector.load %arg3[%get3A_67, %get3A_68] : memref<2048x128xf32, #tpu.memory_space<vmem>>, vector<2048x128xf32>
      %mul3A_70 = arith.mulf %get3A_69, %get3A_69 : vector<2048x128xf32>
      %reduce_sum3A = arith.constant dense<0.000000e+00> : vector<2048xf32>
      %reduce_sum3A_71 = vector.multi_reduction <add>, %mul3A_70, %reduce_sum3A [1] : vector<2048x128xf32> to vector<2048xf32>
      %broadcast_in_dim3A = vector.shape_cast %reduce_sum3A_71 : vector<2048xf32> to vector<2048x1xf32>
      %sqrt3A = math.sqrt %broadcast_in_dim3A : vector<2048x1xf32>
      %div3A = arith.constant 1.000000e+01 : f32
      %div3A_72 = vector.broadcast %div3A : f32 to vector<2048x1xf32>
      %div3A_73 = arith.divf %sqrt3A, %div3A_72 : vector<2048x1xf32>
      %integer_pow3A = arith.mulf %div3A_73, %div3A_73 : vector<2048x1xf32>
      %integer_pow3A_74 = arith.mulf %div3A_73, %integer_pow3A : vector<2048x1xf32>
      %mul3A_75 = arith.mulf %integer_pow3A_74, %div3A_73 : vector<2048x1xf32>
      %mul3A_76 = arith.mulf %mul3A_75, %div3A_73 : vector<2048x1xf32>
      %lt3A = arith.constant 1.000000e+00 : f32
      %lt3A_77 = vector.broadcast %lt3A : f32 to vector<2048x1xf32>
      %lt3A_78 = arith.cmpf olt, %div3A_73, %lt3A_77 : vector<2048x1xf32>
      %mul3A_79 = arith.constant 6.000000e+00 : f32
      %mul3A_80 = vector.broadcast %mul3A_79 : f32 to vector<2048x1xf32>
      %mul3A_81 = arith.mulf %mul3A_80, %mul3A_76 : vector<2048x1xf32>
      %sub3A_82 = arith.constant 1.000000e+00 : f32
      %sub3A_83 = vector.broadcast %sub3A_82 : f32 to vector<2048x1xf32>
      %sub3A_84 = arith.subf %sub3A_83, %mul3A_81 : vector<2048x1xf32>
      %mul3A_85 = arith.constant 1.500000e+01 : f32
      %mul3A_86 = vector.broadcast %mul3A_85 : f32 to vector<2048x1xf32>
      %mul3A_87 = arith.mulf %mul3A_86, %mul3A_75 : vector<2048x1xf32>
      %add3A_88 = arith.addf %sub3A_84, %mul3A_87 : vector<2048x1xf32>
      %mul3A_89 = arith.constant 1.000000e+01 : f32
      %mul3A_90 = vector.broadcast %mul3A_89 : f32 to vector<2048x1xf32>
      %mul3A_91 = arith.mulf %mul3A_90, %integer_pow3A_74 : vector<2048x1xf32>
      %sub3A_92 = arith.subf %add3A_88, %mul3A_91 : vector<2048x1xf32>
      %broadcast_in_dim3A_93 = arith.constant 0.000000e+00 : f32
      %broadcast_in_dim3A_94 = vector.broadcast %broadcast_in_dim3A_93 : f32 to vector<2048x1xf32>
      %select_n3A = arith.select %lt3A_78, %sub3A_92, %broadcast_in_dim3A_94 : vector<2048x1xi1>, vector<2048x1xf32>
      %neg3A = arith.constant 0.000000e+00 : f32
      %neg3A_95 = vector.broadcast %neg3A : f32 to vector<2048x1xf32>
      %neg3A_96 = arith.subf %neg3A_95, %sqrt3A : vector<2048x1xf32>
      %exp3A = math.exp %neg3A_96 : vector<2048x1xf32>
      %get3A_97 = arith.constant 0 : index
      %get3A_98 = arith.constant 0 : index
      %get3A_99 = vector.load %arg16[%get3A_97, %get3A_98] : memref<1x64xf32, #tpu.memory_space<vmem>>, vector<1x64xf32>
      %sub3A_100 = vector.broadcast %exp3A : vector<2048x1xf32> to vector<2048x64xf32>
      %sub3A_101 = vector.broadcast %get3A_99 : vector<1x64xf32> to vector<2048x64xf32>
      %sub3A_102 = arith.subf %sub3A_100, %sub3A_101 : vector<2048x64xf32>
      %integer_pow3A_103 = arith.mulf %sub3A_102, %sub3A_102 : vector<2048x64xf32>
      %mul3A_104 = arith.constant -1024.09302 : f32
      %mul3A_105 = vector.broadcast %mul3A_104 : f32 to vector<2048x64xf32>
      %mul3A_106 = arith.mulf %mul3A_105, %integer_pow3A_103 : vector<2048x64xf32>
      %exp3A_107 = math.exp %mul3A_106 : vector<2048x64xf32>
      %mul3A_108 = vector.broadcast %select_n3A : vector<2048x1xf32> to vector<2048x64xf32>
      %mul3A_109 = arith.mulf %mul3A_108, %exp3A_107 : vector<2048x64xf32>
      %get3A_110 = arith.constant 0 : index
      %get3A_111 = arith.constant 0 : index
      %get3A_112 = vector.load %arg12[%get3A_110, %get3A_111] : memref<1024x384xf32, #tpu.memory_space<vmem>>, vector<1024x384xf32>
      %dot_general3A_113 = arith.constant dense<0.000000e+00> : vector<2048x1024xf32>
      %dot_general3A_114 = tpu.matmul %concatenate3A, %get3A_112, %dot_general3A_113 {dimension_numbers = #tpu.dot_dimension_numbers<[1], [1], [0], [0], [0, 0, 1, 0], [], []>, transpose_lhs_hint = false} : vector<2048x384xf32>, vector<1024x384xf32>, vector<2048x1024xf32> -> vector<2048x1024xf32>
      %get3A_115 = arith.constant 0 : index
      %get3A_116 = arith.constant 0 : index
      %get3A_117 = vector.load %arg13[%get3A_115, %get3A_116] : memref<1x1024xf32, #tpu.memory_space<vmem>>, vector<1x1024xf32>
      %add3A_118 = vector.broadcast %get3A_117 : vector<1x1024xf32> to vector<2048x1024xf32>
      %add3A_119 = arith.addf %dot_general3A_114, %add3A_118 : vector<2048x1024xf32>
      %get3A_120 = arith.constant 0 : index
      %get3A_121 = arith.constant 0 : index
      %get3A_122 = vector.load %arg14[%get3A_120, %get3A_121] : memref<1024x64xf32, #tpu.memory_space<vmem>>, vector<1024x64xf32>
      %dot_general3A_123 = arith.constant dense<0.000000e+00> : vector<2048x1024xf32>
      %dot_general3A_124 = tpu.matmul %mul3A_109, %get3A_122, %dot_general3A_123 {dimension_numbers = #tpu.dot_dimension_numbers<[1], [1], [0], [0], [0, 0, 1, 0], [], []>, transpose_lhs_hint = false} : vector<2048x64xf32>, vector<1024x64xf32>, vector<2048x1024xf32> -> vector<2048x1024xf32>
      %add3A_125 = arith.addf %add3A_119, %dot_general3A_124 : vector<2048x1024xf32>
      %get3A_126 = arith.constant 0 : index
      %get3A_127 = arith.constant 0 : index
      %get3A_128 = vector.load %arg15[%get3A_126, %get3A_127] : memref<1x1024xf32, #tpu.memory_space<vmem>>, vector<1x1024xf32>
      %add3A_129 = vector.broadcast %get3A_128 : vector<1x1024xf32> to vector<2048x1024xf32>
      %add3A_130 = arith.addf %add3A_125, %add3A_129 : vector<2048x1024xf32>
      %add3A_131 = arith.addf %add3A_130, %dot_general3A_44 : vector<2048x1024xf32>
      %get3A_132 = arith.constant 0 : index
      %get3A_133 = arith.constant 0 : index
      %get3A_134 = vector.load %arg18[%get3A_132, %get3A_133] : memref<128x1024xf32, #tpu.memory_space<vmem>>, vector<128x1024xf32>
      %dot_general3A_135 = arith.constant dense<0.000000e+00> : vector<2048x128xf32>
      %dot_general3A_136 = tpu.matmul %add3A_131, %get3A_134, %dot_general3A_135 {dimension_numbers = #tpu.dot_dimension_numbers<[1], [1], [0], [0], [0, 0, 1, 0], [], []>, transpose_lhs_hint = false} : vector<2048x1024xf32>, vector<128x1024xf32>, vector<2048x128xf32> -> vector<2048x128xf32>
      %convert_element_type3A_137 = arith.truncf %dot_general3A_136 : vector<2048x128xf32> to vector<2048x128xbf16>
      %swap3A_138 = arith.constant 0 : index
      %swap3A_139 = arith.constant 0 : index
      %swap3A_140 = vector.load %arg31[%swap3A_138, %swap3A_139] : memref<2048x128xbf16, #tpu.memory_space<vmem>>, vector<2048x128xbf16>
      tpu.vector_store %arg31[%swap3A_138, %swap3A_139], %convert_element_type3A_137 {strides = array<i32>} : memref<2048x128xbf16, #tpu.memory_space<vmem>>, vector<2048x128xbf16>,
      %iota3A = tpu.iota {dimensions = array<i32: 0>} : vector<1024x2048xi32>
      %get3A_141 = arith.constant 0 : index
      %get3A_142 = arith.constant 0 : index
      %get3A_143 = vector.load %arg17[%get3A_141, %get3A_142] : memref<2x2048xi32, #tpu.memory_space<vmem>>, vector<1x2048xi32>
      %eq3A_144 = vector.broadcast %get3A_143 : vector<1x2048xi32> to vector<1024x2048xi32>
      %eq3A_145 = arith.cmpi eq, %eq3A_144, %iota3A : vector<1024x2048xi32>
      %convert_element_type3A_146 = arith.extui %eq3A_145 : vector<1024x2048xi1> to vector<1024x2048xi32>
      %convert_element_type3A_147 = arith.sitofp %convert_element_type3A_146 : vector<1024x2048xi32> to vector<1024x2048xf32>
      %convert_element_type3A_148 = arith.truncf %convert_element_type3A_147 : vector<1024x2048xf32> to vector<1024x2048xbf16>
      %swap3A_149 = arith.constant 0 : index
      %swap3A_150 = arith.constant 0 : index
      %swap3A_151 = vector.load %arg32[%swap3A_149, %swap3A_150] : memref<1024x2048xbf16, #tpu.memory_space<vmem>>, vector<1024x2048xbf16>
      tpu.vector_store %arg32[%swap3A_149, %swap3A_150], %convert_element_type3A_148 {strides = array<i32>} : memref<1024x2048xbf16, #tpu.memory_space<vmem>>, vector<1024x2048xbf16>,
      %get3A_152 = arith.constant 1 : index
      %get3A_153 = arith.constant 0 : index
      %get3A_154 = vector.load %arg17[%get3A_152, %get3A_153] : memref<2x2048xi32, #tpu.memory_space<vmem>>, vector<1x2048xi32>
      %eq3A_155 = vector.broadcast %get3A_154 : vector<1x2048xi32> to vector<1024x2048xi32>
      %eq3A_156 = arith.cmpi eq, %eq3A_155, %iota3A : vector<1024x2048xi32>
      %convert_element_type3A_157 = arith.extui %eq3A_156 : vector<1024x2048xi1> to vector<1024x2048xi32>
      %convert_element_type3A_158 = arith.sitofp %convert_element_type3A_157 : vector<1024x2048xi32> to vector<1024x2048xf32>
      %convert_element_type3A_159 = arith.truncf %convert_element_type3A_158 : vector<1024x2048xf32> to vector<1024x2048xbf16>
      %swap3A_160 = arith.constant 0 : index
      %swap3A_161 = arith.constant 0 : index
      %swap3A_162 = vector.load %arg33[%swap3A_160, %swap3A_161] : memref<1024x2048xbf16, #tpu.memory_space<vmem>>, vector<1024x2048xbf16>
      tpu.vector_store %arg33[%swap3A_160, %swap3A_161], %convert_element_type3A_159 {strides = array<i32>} : memref<1024x2048xbf16, #tpu.memory_space<vmem>>, vector<1024x2048xbf16>,
    } else {
    }
    %gt3A = arith.constant 0 : i32
    %gt3A_2 = arith.cmpi sgt, %arg0, %gt3A : i32
    %convert_element_type3A_3 = arith.extui %gt3A_2 : i1 to i32
    %cond3A_4 = arith.constant 0 : i32
    %cond3A_5 = arith.cmpi ne, %convert_element_type3A_3, %cond3A_4 : i32
    scf.if %cond3A_5 {
      %sub3A = arith.constant 1 : i32
      %sub3A_11 = arith.subi %arg0, %sub3A : i32
      %mul3A = arith.constant 1024 : i32
      %mul3A_12 = arith.muli %sub3A_11, %mul3A : i32
      %get3A = arith.index_cast %mul3A_12 : i32 to index
      %get3A_13 = arith.constant 0 : index
      %get3A_14 = vector.load %arg29[%get3A, %get3A_13] : memref<2048x1024xbf16, #tpu.memory_space<vmem>>, vector<1024x1024xbf16>
      %get3A_15 = arith.constant 0 : index
      %get3A_16 = arith.constant 0 : index
      %get3A_17 = vector.load %arg30[%get3A_15, %get3A_16] : memref<1024x2048xbf16, #tpu.memory_space<vmem>>, vector<1024x2048xbf16>
      %dot_general3A = arith.constant dense<0.000000e+00> : vector<1024x2048xf32>
      %dot_general3A_18 = tpu.matmul %get3A_14, %get3A_17, %dot_general3A {dimension_numbers = #tpu.dot_dimension_numbers<[1], [0], [0], [1], [0, 0, 1, 1], [], []>, transpose_lhs_hint = false} : vector<1024x1024xbf16>, vector<1024x2048xbf16>, vector<1024x2048xf32> -> vector<1024x2048xf32>
      %reduce_max3A = arith.constant dense<0xFF800000> : vector<1024xf32>
      %reduce_max3A_19 = vector.multi_reduction <maximumf>, %dot_general3A_18, %reduce_max3A [1] : vector<1024x2048xf32> to vector<1024xf32>
      %broadcast_in_dim3A = vector.shape_cast %reduce_max3A_19 : vector<1024xf32> to vector<1024x1xf32>
      %sub3A_20 = vector.broadcast %broadcast_in_dim3A : vector<1024x1xf32> to vector<1024x2048xf32>
      %sub3A_21 = arith.subf %dot_general3A_18, %sub3A_20 : vector<1024x2048xf32>
      %exp3A = math.exp %sub3A_21 : vector<1024x2048xf32>
      %convert_element_type3A_22 = arith.truncf %exp3A : vector<1024x2048xf32> to vector<1024x2048xbf16>
      %get3A_23 = arith.constant 0 : index
      %get3A_24 = arith.constant 0 : index
      %get3A_25 = vector.load %arg32[%get3A_23, %get3A_24] : memref<1024x2048xbf16, #tpu.memory_space<vmem>>, vector<1024x2048xbf16>
      %dot_general3A_26 = arith.constant dense<0.000000e+00> : vector<1024x1024xf32>
      %dot_general3A_27 = tpu.matmul %convert_element_type3A_22, %get3A_25, %dot_general3A_26 {dimension_numbers = #tpu.dot_dimension_numbers<[1], [1], [0], [0], [0, 0, 1, 0], [], []>, transpose_lhs_hint = false} : vector<1024x2048xbf16>, vector<1024x2048xbf16>, vector<1024x1024xf32> -> vector<1024x1024xf32>
      %gt3A_28 = arith.constant 0.000000e+00 : f32
      %gt3A_29 = vector.broadcast %gt3A_28 : f32 to vector<1024x1024xf32>
      %gt3A_30 = arith.cmpf ogt, %dot_general3A_27, %gt3A_29 : vector<1024x1024xf32>
      %div3A = arith.constant 1.000000e+00 : f32
      %div3A_31 = vector.broadcast %div3A : f32 to vector<1024x1024xf32>
      %div3A_32 = arith.divf %div3A_31, %dot_general3A_27 : vector<1024x1024xf32>
      %jit3A = arith.constant 0.000000e+00 : f32
      %broadcast_in_dim3A_33 = vector.broadcast %jit3A : f32 to vector<1024x1024xf32>
      %select_n3A = arith.select %gt3A_30, %div3A_32, %broadcast_in_dim3A_33 : vector<1024x1024xi1>, vector<1024x1024xf32>
      %convert_element_type3A_34 = arith.truncf %select_n3A : vector<1024x1024xf32> to vector<1024x1024xbf16>
      %get3A_35 = arith.constant 0 : index
      %get3A_36 = arith.constant 0 : index
      %get3A_37 = vector.load %arg32[%get3A_35, %get3A_36] : memref<1024x2048xbf16, #tpu.memory_space<vmem>>, vector<1024x2048xbf16>
      %dot_general3A_38 = arith.constant dense<0.000000e+00> : vector<1024x2048xf32>
      %dot_general3A_39 = tpu.matmul %convert_element_type3A_34, %get3A_37, %dot_general3A_38 {dimension_numbers = #tpu.dot_dimension_numbers<[1], [0], [0], [1], [0, 0, 1, 1], [], []>, transpose_lhs_hint = false} : vector<1024x1024xbf16>, vector<1024x2048xbf16>, vector<1024x2048xf32> -> vector<1024x2048xf32>
      %convert_element_type3A_40 = arith.truncf %dot_general3A_39 : vector<1024x2048xf32> to vector<1024x2048xbf16>
      %mul3A_41 = arith.mulf %convert_element_type3A_22, %convert_element_type3A_40 : vector<1024x2048xbf16>
      %get3A_42 = arith.constant 0 : index
      %get3A_43 = arith.constant 0 : index
      %get3A_44 = vector.load %arg31[%get3A_42, %get3A_43] : memref<2048x128xbf16, #tpu.memory_space<vmem>>, vector<2048x128xbf16>
      %dot_general3A_45 = arith.constant dense<0.000000e+00> : vector<1024x128xf32>
      %dot_general3A_46 = tpu.matmul %mul3A_41, %get3A_44, %dot_general3A_45 {dimension_numbers = #tpu.dot_dimension_numbers<[1], [0], [0], [1], [0, 0, 1, 1], [], []>, transpose_lhs_hint = false} : vector<1024x2048xbf16>, vector<2048x128xbf16>, vector<1024x128xf32> -> vector<1024x128xf32>
      %get3A_47 = arith.constant 0 : index
      %get3A_48 = arith.constant 0 : index
      %get3A_49 = vector.load %arg19[%get3A_47, %get3A_48] : memref<1x128xf32, #tpu.memory_space<vmem>>, vector<1x128xf32>
      %add3A = vector.broadcast %get3A_49 : vector<1x128xf32> to vector<1024x128xf32>
      %add3A_50 = arith.addf %dot_general3A_46, %add3A : vector<1024x128xf32>
      %convert_element_type3A_51 = arith.truncf %add3A_50 : vector<1024x128xf32> to vector<1024x128xbf16>
      %mul3A_52 = arith.constant 1024 : i32
      %mul3A_53 = arith.muli %sub3A_11, %mul3A_52 : i32
      %swap3A = arith.index_cast %mul3A_53 : i32 to index
      %swap3A_54 = arith.constant 0 : index
      %swap3A_55 = vector.load %arg34[%swap3A, %swap3A_54] : memref<2048x128xbf16, #tpu.memory_space<vmem>>, vector<1024x128xbf16>
      tpu.vector_store %arg34[%swap3A, %swap3A_54], %convert_element_type3A_51 {strides = array<i32>} : memref<2048x128xbf16, #tpu.memory_space<vmem>>, vector<1024x128xbf16>,
    } else {
    }
    %eq3A_6 = arith.constant 2 : i32
    %eq3A_7 = arith.cmpi eq, %arg0, %eq3A_6 : i32
    %convert_element_type3A_8 = arith.extui %eq3A_7 : i1 to i32
    %cond3A_9 = arith.constant 0 : i32
    %cond3A_10 = arith.cmpi ne, %convert_element_type3A_8, %cond3A_9 : i32
    scf.if %cond3A_10 {
      %get3A = arith.constant 0 : index
      %get3A_11 = arith.constant 0 : index
      %get3A_12 = vector.load %arg33[%get3A, %get3A_11] : memref<1024x2048xbf16, #tpu.memory_space<vmem>>, vector<1024x2048xbf16>
      %get3A_13 = arith.constant 0 : index
      %get3A_14 = arith.constant 0 : index
      %get3A_15 = vector.load %arg34[%get3A_13, %get3A_14] : memref<2048x128xbf16, #tpu.memory_space<vmem>>, vector<2048x128xbf16>
      %dot_general3A = arith.constant dense<0.000000e+00> : vector<1024x128xf32>
      %dot_general3A_16 = tpu.matmul %get3A_12, %get3A_15, %dot_general3A {dimension_numbers = #tpu.dot_dimension_numbers<[1], [0], [0], [1], [0, 0, 1, 1], [], []>, transpose_lhs_hint = false} : vector<1024x2048xbf16>, vector<2048x128xbf16>, vector<1024x128xf32> -> vector<1024x128xf32>
      %get3A_17 = arith.constant 0 : index
      %get3A_18 = arith.constant 0 : index
      %get3A_19 = vector.load %arg20[%get3A_17, %get3A_18] : memref<1x128xf32, #tpu.memory_space<vmem>>, vector<1x128xf32>
      %get3A_20 = arith.constant 0 : index
      %get3A_21 = arith.constant 0 : index
      %get3A_22 = vector.load %arg21[%get3A_20, %get3A_21] : memref<1x128xf32, #tpu.memory_space<vmem>>, vector<1x128xf32>
      %reduce_sum3A = arith.constant dense<0.000000e+00> : vector<1024xf32>
      %reduce_sum3A_23 = vector.multi_reduction <add>, %dot_general3A_16, %reduce_sum3A [1] : vector<1024x128xf32> to vector<1024xf32>
      %broadcast_in_dim3A = vector.shape_cast %reduce_sum3A_23 : vector<1024xf32> to vector<1024x1xf32>
      %div3A = arith.constant 1.280000e+02 : f32
      %div3A_24 = vector.broadcast %div3A : f32 to vector<1024x1xf32>
      %div3A_25 = arith.divf %broadcast_in_dim3A, %div3A_24 : vector<1024x1xf32>
      %sub3A = vector.broadcast %div3A_25 : vector<1024x1xf32> to vector<1024x128xf32>
      %sub3A_26 = arith.subf %dot_general3A_16, %sub3A : vector<1024x128xf32>
      %integer_pow3A = arith.mulf %sub3A_26, %sub3A_26 : vector<1024x128xf32>
      %reduce_sum3A_27 = arith.constant dense<0.000000e+00> : vector<1024xf32>
      %reduce_sum3A_28 = vector.multi_reduction <add>, %integer_pow3A, %reduce_sum3A_27 [1] : vector<1024x128xf32> to vector<1024xf32>
      %broadcast_in_dim3A_29 = vector.shape_cast %reduce_sum3A_28 : vector<1024xf32> to vector<1024x1xf32>
      %div3A_30 = arith.constant 1.280000e+02 : f32
      %div3A_31 = vector.broadcast %div3A_30 : f32 to vector<1024x1xf32>
      %div3A_32 = arith.divf %broadcast_in_dim3A_29, %div3A_31 : vector<1024x1xf32>
      %sub3A_33 = vector.broadcast %div3A_25 : vector<1024x1xf32> to vector<1024x128xf32>
      %sub3A_34 = arith.subf %dot_general3A_16, %sub3A_33 : vector<1024x128xf32>
      %add3A = arith.constant 9.99999974E-6 : f32
      %add3A_35 = vector.broadcast %add3A : f32 to vector<1024x1xf32>
      %add3A_36 = arith.addf %div3A_32, %add3A_35 : vector<1024x1xf32>
      %sqrt3A = math.sqrt %add3A_36 : vector<1024x1xf32>
      %div3A_37 = vector.broadcast %sqrt3A : vector<1024x1xf32> to vector<1024x128xf32>
      %div3A_38 = arith.divf %sub3A_34, %div3A_37 : vector<1024x128xf32>
      %mul3A = vector.broadcast %get3A_19 : vector<1x128xf32> to vector<1024x128xf32>
      %mul3A_39 = arith.mulf %div3A_38, %mul3A : vector<1024x128xf32>
      %add3A_40 = vector.broadcast %get3A_22 : vector<1x128xf32> to vector<1024x128xf32>
      %add3A_41 = arith.addf %mul3A_39, %add3A_40 : vector<1024x128xf32>
      %get3A_42 = arith.constant 0 : index
      %get3A_43 = arith.constant 0 : index
      %get3A_44 = vector.load %arg22[%get3A_42, %get3A_43] : memref<128x128xf32, #tpu.memory_space<vmem>>, vector<128x128xf32>
      %dot_general3A_45 = arith.constant dense<0.000000e+00> : vector<1024x128xf32>
      %dot_general3A_46 = tpu.matmul %add3A_41, %get3A_44, %dot_general3A_45 {dimension_numbers = #tpu.dot_dimension_numbers<[1], [1], [0], [0], [0, 0, 1, 0], [], []>, transpose_lhs_hint = false} : vector<1024x128xf32>, vector<128x128xf32>, vector<1024x128xf32> -> vector<1024x128xf32>
      %get3A_47 = arith.constant 0 : index
      %get3A_48 = arith.constant 0 : index
      %get3A_49 = vector.load %arg23[%get3A_47, %get3A_48] : memref<1x128xf32, #tpu.memory_space<vmem>>, vector<1x128xf32>
      %add3A_50 = vector.broadcast %get3A_49 : vector<1x128xf32> to vector<1024x128xf32>
      %add3A_51 = arith.addf %dot_general3A_46, %add3A_50 : vector<1024x128xf32>
      %max3A = arith.constant 0.000000e+00 : f32
      %max3A_52 = vector.broadcast %max3A : f32 to vector<1024x128xf32>
      %max3A_53 = arith.maximumf %add3A_51, %max3A_52 : vector<1024x128xf32>
      %abs3A = math.absf %add3A_51 : vector<1024x128xf32>
      %neg3A = arith.constant 0.000000e+00 : f32
      %neg3A_54 = vector.broadcast %neg3A : f32 to vector<1024x128xf32>
      %neg3A_55 = arith.subf %neg3A_54, %abs3A : vector<1024x128xf32>
      %exp3A = math.exp %neg3A_55 : vector<1024x128xf32>
      %add3A_56 = arith.constant 1.000000e+00 : f32
      %add3A_57 = vector.broadcast %add3A_56 : f32 to vector<1024x128xf32>
      %add3A_58 = arith.addf %add3A_57, %exp3A : vector<1024x128xf32>
      %log3A = math.log %add3A_58 : vector<1024x128xf32>
      %add3A_59 = arith.addf %max3A_53, %log3A : vector<1024x128xf32>
      %get3A_60 = arith.constant 0 : index
      %get3A_61 = arith.constant 0 : index
      %get3A_62 = vector.load %arg24[%get3A_60, %get3A_61] : memref<128x128xf32, #tpu.memory_space<vmem>>, vector<128x128xf32>
      %dot_general3A_63 = arith.constant dense<0.000000e+00> : vector<1024x128xf32>
      %dot_general3A_64 = tpu.matmul %add3A_59, %get3A_62, %dot_general3A_63 {dimension_numbers = #tpu.dot_dimension_numbers<[1], [1], [0], [0], [0, 0, 1, 0], [], []>, transpose_lhs_hint = false} : vector<1024x128xf32>, vector<128x128xf32>, vector<1024x128xf32> -> vector<1024x128xf32>
      %get3A_65 = arith.constant 0 : index
      %get3A_66 = arith.constant 0 : index
      %get3A_67 = vector.load %arg25[%get3A_65, %get3A_66] : memref<1x128xf32, #tpu.memory_space<vmem>>, vector<1x128xf32>
      %add3A_68 = vector.broadcast %get3A_67 : vector<1x128xf32> to vector<1024x128xf32>
      %add3A_69 = arith.addf %dot_general3A_64, %add3A_68 : vector<1024x128xf32>
      %max3A_70 = arith.constant 0.000000e+00 : f32
      %max3A_71 = vector.broadcast %max3A_70 : f32 to vector<1024x128xf32>
      %max3A_72 = arith.maximumf %add3A_69, %max3A_71 : vector<1024x128xf32>
      %abs3A_73 = math.absf %add3A_69 : vector<1024x128xf32>
      %neg3A_74 = arith.constant 0.000000e+00 : f32
      %neg3A_75 = vector.broadcast %neg3A_74 : f32 to vector<1024x128xf32>
      %neg3A_76 = arith.subf %neg3A_75, %abs3A_73 : vector<1024x128xf32>
      %exp3A_77 = math.exp %neg3A_76 : vector<1024x128xf32>
      %add3A_78 = arith.constant 1.000000e+00 : f32
      %add3A_79 = vector.broadcast %add3A_78 : f32 to vector<1024x128xf32>
      %add3A_80 = arith.addf %add3A_79, %exp3A_77 : vector<1024x128xf32>
      %log3A_81 = math.log %add3A_80 : vector<1024x128xf32>
      %add3A_82 = arith.addf %max3A_72, %log3A_81 : vector<1024x128xf32>
      %get3A_83 = arith.constant 0 : index
      %get3A_84 = arith.constant 0 : index
      %get3A_85 = vector.load %arg26[%get3A_83, %get3A_84] : memref<128x128xf32, #tpu.memory_space<vmem>>, vector<128x128xf32>
      %dot_general3A_86 = arith.constant dense<0.000000e+00> : vector<1024x128xf32>
      %dot_general3A_87 = tpu.matmul %add3A_82, %get3A_85, %dot_general3A_86 {dimension_numbers = #tpu.dot_dimension_numbers<[1], [1], [0], [0], [0, 0, 1, 0], [], []>, transpose_lhs_hint = false} : vector<1024x128xf32>, vector<128x128xf32>, vector<1024x128xf32> -> vector<1024x128xf32>
      %get3A_88 = arith.constant 0 : index
      %get3A_89 = arith.constant 0 : index
      %get3A_90 = vector.load %arg27[%get3A_88, %get3A_89] : memref<1x128xf32, #tpu.memory_space<vmem>>, vector<1x128xf32>
      %add3A_91 = vector.broadcast %get3A_90 : vector<1x128xf32> to vector<1024x128xf32>
      %add3A_92 = arith.addf %dot_general3A_87, %add3A_91 : vector<1024x128xf32>
      %max3A_93 = arith.constant 0.000000e+00 : f32
      %max3A_94 = vector.broadcast %max3A_93 : f32 to vector<1024x128xf32>
      %max3A_95 = arith.maximumf %add3A_92, %max3A_94 : vector<1024x128xf32>
      %abs3A_96 = math.absf %add3A_92 : vector<1024x128xf32>
      %neg3A_97 = arith.constant 0.000000e+00 : f32
      %neg3A_98 = vector.broadcast %neg3A_97 : f32 to vector<1024x128xf32>
      %neg3A_99 = arith.subf %neg3A_98, %abs3A_96 : vector<1024x128xf32>
      %exp3A_100 = math.exp %neg3A_99 : vector<1024x128xf32>
      %add3A_101 = arith.constant 1.000000e+00 : f32
      %add3A_102 = vector.broadcast %add3A_101 : f32 to vector<1024x128xf32>
      %add3A_103 = arith.addf %add3A_102, %exp3A_100 : vector<1024x128xf32>
      %log3A_104 = math.log %add3A_103 : vector<1024x128xf32>
      %add3A_105 = arith.addf %max3A_95, %log3A_104 : vector<1024x128xf32>
      %reduce_sum3A_106 = arith.constant dense<0.000000e+00> : vector<1024xf32>
      %reduce_sum3A_107 = vector.multi_reduction <add>, %add3A_105, %reduce_sum3A_106 [1] : vector<1024x128xf32> to vector<1024xf32>
      %broadcast_in_dim3A_108 = vector.shape_cast %reduce_sum3A_107 : vector<1024xf32> to vector<1024x1xf32>
      %div3A_109 = arith.constant 1.280000e+02 : f32
      %div3A_110 = vector.broadcast %div3A_109 : f32 to vector<1024x1xf32>
      %div3A_111 = arith.divf %broadcast_in_dim3A_108, %div3A_110 : vector<1024x1xf32>
      %sub3A_112 = vector.broadcast %div3A_111 : vector<1024x1xf32> to vector<1024x128xf32>
      %sub3A_113 = arith.subf %add3A_105, %sub3A_112 : vector<1024x128xf32>
      %integer_pow3A_114 = arith.mulf %sub3A_113, %sub3A_113 : vector<1024x128xf32>
      %reduce_sum3A_115 = arith.constant dense<0.000000e+00> : vector<1024xf32>
      %reduce_sum3A_116 = vector.multi_reduction <add>, %integer_pow3A_114, %reduce_sum3A_115 [1] : vector<1024x128xf32> to vector<1024xf32>
      %broadcast_in_dim3A_117 = vector.shape_cast %reduce_sum3A_116 : vector<1024xf32> to vector<1024x1xf32>
      %div3A_118 = arith.constant 1.280000e+02 : f32
      %div3A_119 = vector.broadcast %div3A_118 : f32 to vector<1024x1xf32>
      %div3A_120 = arith.divf %broadcast_in_dim3A_117, %div3A_119 : vector<1024x1xf32>
      %sub3A_121 = vector.broadcast %div3A_111 : vector<1024x1xf32> to vector<1024x128xf32>
      %sub3A_122 = arith.subf %add3A_105, %sub3A_121 : vector<1024x128xf32>
      %add3A_123 = arith.constant 9.99999974E-6 : f32
      %add3A_124 = vector.broadcast %add3A_123 : f32 to vector<1024x1xf32>
      %add3A_125 = arith.addf %div3A_120, %add3A_124 : vector<1024x1xf32>
      %sqrt3A_126 = math.sqrt %add3A_125 : vector<1024x1xf32>
      %div3A_127 = vector.broadcast %sqrt3A_126 : vector<1024x1xf32> to vector<1024x128xf32>
      %div3A_128 = arith.divf %sub3A_122, %div3A_127 : vector<1024x128xf32>
      %mul3A_129 = vector.broadcast %get3A_19 : vector<1x128xf32> to vector<1024x128xf32>
      %mul3A_130 = arith.mulf %div3A_128, %mul3A_129 : vector<1024x128xf32>
      %add3A_131 = vector.broadcast %get3A_22 : vector<1x128xf32> to vector<1024x128xf32>
      %add3A_132 = arith.addf %mul3A_130, %add3A_131 : vector<1024x128xf32>
      %swap3A = arith.constant 0 : index
      %swap3A_133 = arith.constant 0 : index
      %swap3A_134 = vector.load %arg28[%swap3A, %swap3A_133] : memref<1024x128xf32, #tpu.memory_space<vmem>>, vector<1024x128xf32>
      tpu.vector_store %arg28[%swap3A, %swap3A_133], %add3A_132 {strides = array<i32>} : memref<1024x128xf32, #tpu.memory_space<vmem>>, vector<1024x128xf32>,
    } else {
    }
    return
  }
  func.func @transform_0(%arg0: i32) -> (i32, i32) {
    %c0_i32 = arith.constant 0 : i32
    %c0_i32_0 = arith.constant 0 : i32
    %c0_i32_1 = arith.constant 0 : i32
    return %c0_i32, %c0_i32_0 : i32, i32
  }
  func.func @transform_1(%arg0: i32) -> (i32, i32) {
    %c0_i32 = arith.constant 0 : i32
    %c0_i32_0 = arith.constant 0 : i32
    %c0_i32_1 = arith.constant 0 : i32
    return %c0_i32, %c0_i32_0 : i32, i32
  }
  func.func @transform_2(%arg0: i32) -> (i32, i32) {
    %c0_i32 = arith.constant 0 : i32
    %c0_i32_0 = arith.constant 0 : i32
    %c0_i32_1 = arith.constant 0 : i32
    return %c0_i32, %c0_i32_0 : i32, i32
  }
  func.func @transform_3(%arg0: i32) -> (i32, i32) {
    %c0_i32 = arith.constant 0 : i32
    %c0_i32_0 = arith.constant 0 : i32
    %c0_i32_1 = arith.constant 0 : i32
    return %c0_i32, %c0_i32_0 : i32, i32
  }
  func.func @transform_4(%arg0: i32) -> (i32, i32) {
    %c0_i32 = arith.constant 0 : i32
    %c0_i32_0 = arith.constant 0 : i32
    %c0_i32_1 = arith.constant 0 : i32
    return %c0_i32, %c0_i32_0 : i32, i32
  }
  func.func @transform_5(%arg0: i32) -> (i32, i32) {
    %c0_i32 = arith.constant 0 : i32
    %c0_i32_0 = arith.constant 0 : i32
    %c0_i32_1 = arith.constant 0 : i32
    return %c0_i32, %c0_i32_0 : i32, i32
  }
  func.func @transform_6(%arg0: i32) -> (i32, i32) {
    %c0_i32 = arith.constant 0 : i32
    %c0_i32_0 = arith.constant 0 : i32
    %c0_i32_1 = arith.constant 0 : i32
    return %c0_i32, %c0_i32_0 : i32, i32
  }
  func.func @transform_7(%arg0: i32) -> (i32, i32) {
    %c0_i32 = arith.constant 0 : i32
    %c0_i32_0 = arith.constant 0 : i32
    %c0_i32_1 = arith.constant 0 : i32
    return %c0_i32, %c0_i32_0 : i32, i32
  }
  func.func @transform_8(%arg0: i32) -> (i32, i32) {
    %c0_i32 = arith.constant 0 : i32
    %c0_i32_0 = arith.constant 0 : i32
    %c0_i32_1 = arith.constant 0 : i32
    return %c0_i32, %c0_i32_0 : i32, i32
  }
  func.func @transform_9(%arg0: i32) -> (i32, i32) {
    %c0_i32 = arith.constant 0 : i32
    %c0_i32_0 = arith.constant 0 : i32
    %c0_i32_1 = arith.constant 0 : i32
    return %c0_i32, %c0_i32_0 : i32, i32
  }
  func.func @transform_10(%arg0: i32) -> (i32, i32) {
    %c0_i32 = arith.constant 0 : i32
    %c0_i32_0 = arith.constant 0 : i32
    %c0_i32_1 = arith.constant 0 : i32
    return %c0_i32, %c0_i32_0 : i32, i32
  }
  func.func @transform_11(%arg0: i32) -> (i32, i32) {
    %c0_i32 = arith.constant 0 : i32
    %c0_i32_0 = arith.constant 0 : i32
    %c0_i32_1 = arith.constant 0 : i32
    return %c0_i32, %c0_i32_0 : i32, i32
  }
  func.func @transform_12(%arg0: i32) -> (i32, i32) {
    %c0_i32 = arith.constant 0 : i32
    %c0_i32_0 = arith.constant 0 : i32
    %c0_i32_1 = arith.constant 0 : i32
    return %c0_i32, %c0_i32_0 : i32, i32
  }
  func.func @transform_13(%arg0: i32) -> (i32, i32) {
    %c0_i32 = arith.constant 0 : i32
    %c0_i32_0 = arith.constant 0 : i32
    %c0_i32_1 = arith.constant 0 : i32
    return %c0_i32, %c0_i32_0 : i32, i32
  }
  func.func @transform_14(%arg0: i32) -> (i32, i32) {
    %c0_i32 = arith.constant 0 : i32
    %c0_i32_0 = arith.constant 0 : i32
    %c0_i32_1 = arith.constant 0 : i32
    return %c0_i32, %c0_i32_0 : i32, i32
  }
  func.func @transform_15(%arg0: i32) -> (i32, i32) {
    %c0_i32 = arith.constant 0 : i32
    %c0_i32_0 = arith.constant 0 : i32
    %c0_i32_1 = arith.constant 0 : i32
    return %c0_i32, %c0_i32_0 : i32, i32
  }
  func.func @transform_16(%arg0: i32) -> (i32, i32) {
    %c0_i32 = arith.constant 0 : i32
    %c0_i32_0 = arith.constant 0 : i32
    %c0_i32_1 = arith.constant 0 : i32
    return %c0_i32, %c0_i32_0 : i32, i32
  }
  func.func @transform_17(%arg0: i32) -> (i32, i32) {
    %c0_i32 = arith.constant 0 : i32
    %c0_i32_0 = arith.constant 0 : i32
    %c0_i32_1 = arith.constant 0 : i32
    return %c0_i32, %c0_i32_0 : i32, i32
  }
  func.func @transform_18(%arg0: i32) -> (i32, i32) {
    %c0_i32 = arith.constant 0 : i32
    %c0_i32_0 = arith.constant 0 : i32
    %c0_i32_1 = arith.constant 0 : i32
    return %c0_i32, %c0_i32_0 : i32, i32
  }
  func.func @transform_19(%arg0: i32) -> (i32, i32) {
    %c0_i32 = arith.constant 0 : i32
    %c0_i32_0 = arith.constant 0 : i32
    %c0_i32_1 = arith.constant 0 : i32
    return %c0_i32, %c0_i32_0 : i32, i32
  }
  func.func @transform_20(%arg0: i32) -> (i32, i32) {
    %c0_i32 = arith.constant 0 : i32
    %c0_i32_0 = arith.constant 0 : i32
    %c0_i32_1 = arith.constant 0 : i32
    return %c0_i32, %c0_i32_0 : i32, i32
  }
  func.func @transform_21(%arg0: i32) -> (i32, i32) {
    %c0_i32 = arith.constant 0 : i32
    %c0_i32_0 = arith.constant 0 : i32
    %c0_i32_1 = arith.constant 0 : i32
    return %c0_i32, %c0_i32_0 : i32, i32
  }
  func.func @transform_22(%arg0: i32) -> (i32, i32) {
    %c0_i32 = arith.constant 0 : i32
    %c0_i32_0 = arith.constant 0 : i32
    %c0_i32_1 = arith.constant 0 : i32
    return %c0_i32, %c0_i32_0 : i32, i32
  }
  func.func @transform_23(%arg0: i32) -> (i32, i32) {
    %c0_i32 = arith.constant 0 : i32
    %c0_i32_0 = arith.constant 0 : i32
    %c0_i32_1 = arith.constant 0 : i32
    return %c0_i32, %c0_i32_0 : i32, i32
  }
  func.func @transform_24(%arg0: i32) -> (i32, i32) {
    %c0_i32 = arith.constant 0 : i32
    %c0_i32_0 = arith.constant 0 : i32
    %c0_i32_1 = arith.constant 0 : i32
    return %c0_i32, %c0_i32_0 : i32, i32
  }
  func.func @transform_25(%arg0: i32) -> (i32, i32) {
    %c0_i32 = arith.constant 0 : i32
    %c0_i32_0 = arith.constant 0 : i32
    %c0_i32_1 = arith.constant 0 : i32
    return %c0_i32, %c0_i32_0 : i32, i32
  }
  func.func @transform_26(%arg0: i32) -> (i32, i32) {
    %c0_i32 = arith.constant 0 : i32
    %c0_i32_0 = arith.constant 0 : i32
    %c0_i32_1 = arith.constant 0 : i32
    return %c0_i32, %c0_i32_0 : i32, i32
  }
  func.func @transform_27(%arg0: i32) -> (i32, i32) {
    %c0_i32 = arith.constant 0 : i32
    %c0_i32_0 = arith.constant 0 : i32
    %c0_i32_1 = arith.constant 0 : i32
    return %c0_i32, %c0_i32_0 : i32, i32
  }
}

</mosaic_0001>

<sc_bundles>
// kernel: kernel.4.cloned.1.call-start
scs
__scs_entry_jumppad:
0x0: {  	(pc) =	sbr.rel $0x88, $3  }
0x1: {  	(tag) =	ssettag $0x0;
	lr =	simm.s32 $0x1  }
0x2: {  	[smem:$0x3F88] =	sst lr;
	_ =	strace $0xD0000000  }
0x3: {  	_ = 	snop  }
0x4: {  	_ = 	snop  }
0x5: {  	_ = 	snop  }
0x6: {  	_ = 	snop  }
0x7: {  	_ = 	snop  }
__scs_overlays_trampoline_lowered:
0x8: {  	[smem:$0x3F97] =	sst s0  }
0x9: {  	[smem:$0x3F98] =	sst s1  }
0xa: {  	[smem:$0x3F99] =	sst s2  }
0xb: {  	[smem:$0x3F9A] =	sst s3  }
0xc: {  	[smem:$0x3F9B] =	sst s4  }
0xd: {  	[smem:$0x3F9C] =	sst s5  }
0xe: {  	[smem:$0x3F9D] =	sst s6  }
0xf: {  	[smem:$0x3F9E] =	sst s7  }
0x10: {  	[smem:$0x3F9F] =	sst s8  }
0x11: {  	[smem:$0x3FA0] =	sst s9;
	s0 =	simm.s32 @!p0 $0x0  }
0x12: {  	s1 =	sld [smem:$0x3F86];
	s0 =	simm.s32 @p0 $0x1  }
0x13: {  	[smem:$0x3FA1] =	sst s0;
	s0 =	simm.s32 @!p1 $0x0  }
0x14: {  	s2 =	sld [smem:$0x3F85];
	s0 =	simm.s32 @p1 $0x1  }
0x15: {  	[smem:$0x3FA2] =	sst s0;
	s0 =	simm.s32 @!p2 $0x0  }
0x16: {  	s3 =	sld [smem:$0x3FDB];
	s0 =	simm.s32 @p2 $0x1  }
0x17: {  	s4 =	simm.s32 $0x1BF5;
	[smem:$0x3FA4] =	sst s0  }
0x18: {  	s0 =	sld [smem:$0x3F87];
	_ =	swait.ge [sflag:s4], $0x0  }
0x19: {  	s7 =	sld [smem:$0x3F88]  }
0x1a: {  	s8 =	sadd.s32 $0xFFFFE003, lr  }
0x1b: {  	s9 =	sadd.s32 $0xFFFFFEF7, lr;
	s5 =	simm.s32 $0xFFFFFFFF;
	p2 =	slt.u32 s8, $0xFFFFF086  }
0x1c: {  	p1 =	slt.u32 s9, $0xF7A;
	s5 =	simm.s32 @!p2 $0x0  }
0x1d: {  	s5 =	simm.s32 @p1 $0x1;
	p0 =	seq.s32 s7, s2  }
0x1e: {  	s7 =	smul.u32 @!p0 $0xF7A, s2;
	p2 =	seq.s32 @!p0 s5, $0x0  }
0x1f: {  	s9 =	smul.u32 $0xF7A, s1;
	s8 =	simm.s32 @!p0 $0x1BF5;
	p2 =	por !p2, p0  }
0x20: {  	[sflag:s8] =	ssyncset.s32 @!p0 $0xFFFFF086;
	s6 =	sadd.s32 @!p0 s3, s7;
	s7 =	simm.s32 @!p0 $0x108  }
0x21: {  	s3 =	sadd.s32 s3, s9;
	s6 =	sadd.s32 @!p0 $0x88, s6;
	s7 =	simm.s32 @p2 $0x1082  }
0x22: {  	[simem:s7], [sflag:s8] =	dma.local @!p0 [hbm:s6], $0xF7A  }
0x23: {  	s9 =	sor.u32 $0xD0000000, s2;
	s6 =	simm.s32 $0x108;
	_ =	swait.ge @!p0 [sflag:s8], $0x0  }
0x24: {  	s3 =	sadd.s32 $0x88, s3;
	s6 =	simm.s32 @!p1 $0x1082;
	[sflag:s4] =	ssyncset.s32 $0xFFFFF086  }
0x25: {  	[simem:s6], [sflag:s4] =	dma.local [hbm:s3], $0xF7A  }
0x26: {  	[smem:$0x3F88] =	sst s1;
	(tag) =	ssettag s2;
	_ =	strace s9  }
0x27: {  	s1 =	sld [smem:$0x3F98]  }
0x28: {  	s2 =	sld [smem:$0x3F99]  }
0x29: {  	s4 =	sld [smem:$0x3F9B]  }
0x2a: {  	p0 =	seq.s32 s5, $0x0;
	s5 =	sld [smem:$0x3F9C]  }
0x2b: {  	s6 =	sld [smem:$0x3F9D]  }
0x2c: {  	s7 =	sld [smem:$0x3F9E]  }
0x2d: {  	s3 =	simm.s32 $0x108;
	s8 =	sld [smem:$0x3F9F]  }
0x2e: {  	s3 =	simm.s32 @!p0 $0x1082;
	s9 =	sld [smem:$0x3FA0]  }
0x2f: {  	lr =	sadd.s32 s0, s3;
	s0 =	sld [smem:$0x3F97]  }
0x30: {  	s3 =	sld [smem:$0x3F9A]  }
0x31: {  	[smem:$0x3FA3] =	sst s10  }
0x32: {  	s10 =	sld [smem:$0x3FA1];
	_ =	sdelay $0x3  }
0x33: {  	p0 =	seq.s32 s10, $0x1;
	s10 =	sld [smem:$0x3FA3];
	_ =	sdelay $0x3  }
0x34: {  	[smem:$0x3FA3] =	sst s10  }
0x35: {  	s10 =	sld [smem:$0x3FA2];
	_ =	sdelay $0x3  }
0x36: {  	p1 =	seq.s32 s10, $0x1;
	s10 =	sld [smem:$0x3FA3];
	_ =	sdelay $0x3  }
0x37: {  	[smem:$0x3FA3] =	sst s10  }
0x38: {  	s10 =	sld [smem:$0x3FA4]  }
0x39: {  	_ = 	snop;
	(pc) =	sbr.ind lr, $3  }
0x3a: {  	_ = 	snop  }
0x3b: {  	_ = 	snop  }
0x3c: {  	p2 =	seq.s32 s10, $0x1;
	s10 =	sld [smem:$0x3FA3]  }
0x3d: {  	_ =	shalt  }
0x3e: {  	_ =	shalt  }
0x3f: {  	_ =	shalt  }
0x40: {  	_ =	shalt  }
0x41: {  	_ =	shalt  }
0x42: {  	_ =	shalt  }
0x43: {  	_ =	shalt  }
0x44: {  	_ =	shalt  }
0x45: {  	_ =	shalt  }
0x46: {  	_ =	shalt  }
0x47: {  	_ =	shalt  }
0x48: {  	_ =	shalt  }
0x49: {  	_ =	shalt  }
0x4a: {  	_ =	shalt  }
0x4b: {  	_ =	shalt  }
0x4c: {  	_ =	shalt  }
0x4d: {  	_ =	shalt  }
0x4e: {  	_ =	shalt  }
0x4f: {  	_ =	shalt  }
0x50: {  	_ =	shalt  }
0x51: {  	_ =	shalt  }
0x52: {  	_ =	shalt  }
0x53: {  	_ =	shalt  }
0x54: {  	_ =	shalt  }
0x55: {  	_ =	shalt  }
0x56: {  	_ =	shalt  }
0x57: {  	_ =	shalt  }
0x58: {  	_ =	shalt  }
0x59: {  	_ =	shalt  }
0x5a: {  	_ =	shalt  }
0x5b: {  	_ =	shalt  }
0x5c: {  	_ =	shalt  }
0x5d: {  	_ =	shalt  }
0x5e: {  	_ =	shalt  }
0x5f: {  	_ =	shalt  }
0x60: {  	_ =	shalt  }
0x61: {  	_ =	shalt  }
0x62: {  	_ =	shalt  }
0x63: {  	_ =	shalt  }
0x64: {  	_ =	shalt  }
0x65: {  	_ =	shalt  }
0x66: {  	_ =	shalt  }
0x67: {  	_ =	shalt  }
0x68: {  	_ =	shalt  }
0x69: {  	_ =	shalt  }
0x6a: {  	_ =	shalt  }
0x6b: {  	_ =	shalt  }
0x6c: {  	_ =	shalt  }
0x6d: {  	_ =	shalt  }
0x6e: {  	_ =	shalt  }
0x6f: {  	_ =	shalt  }
0x70: {  	_ =	shalt  }
0x71: {  	_ =	shalt  }
0x72: {  	_ =	shalt  }
0x73: {  	_ =	shalt  }
0x74: {  	_ =	shalt  }
0x75: {  	_ =	shalt  }
0x76: {  	_ =	shalt  }
0x77: {  	_ =	shalt  }
0x78: {  	_ =	shalt  }
0x79: {  	_ =	shalt  }
0x7a: {  	_ =	shalt  }
0x7b: {  	_ =	shalt  }
0x7c: {  	_ =	shalt  }
0x7d: {  	_ =	shalt  }
0x7e: {  	_ =	shalt  }
0x7f: {  	_ =	shalt  }
0x80: {  	_ =	shalt  }
0x81: {  	_ =	shalt  }
0x82: {  	_ =	shalt  }
0x83: {  	_ =	shalt  }
0x84: {  	_ =	shalt  }
0x85: {  	_ =	shalt  }
0x86: {  	_ =	shalt  }
0x87: {  	_ =	shalt  }
.Lfunc_end0:
.L_simem_size_0:
called_computation_lowered:
.L_overlay_start_0:
0x88: {  	s2 =	sld [smem:$0x3FD9]  }
0x89: {  	s3 =	sld [smem:$0x3FFE];
	_ =	sdelay $0x1  }
0x8a: {  	s1 =	srdreg.scid  }
0x8b: {  	s0 =	sand.u32 $0x1, s1  }
0x8c: {  	s17 =	sshll.u32 s0, $0xA;
	s2 =	sadd.s32 s3, s2  }
0x8d: {  	s2 =	sadd.s32 s2, s17  }
0x8e: {  	[smem:$0x3FAF] =	sst s2  }
0x8f: {  	_ = 	snop  }
0x90: {  	s2 =	sld [smem:$0x3FC9]  }
0x91: {  	s18 =	sld [smem:$0x3FC8]  }
0x92: {  	s4 =	sld [smem:$0x3FD0];
	(tm) =	ssettm $0x1  }
0x93: {  	s5 =	sld [smem:$0x3FFB];
	_ =	sdelay $0x3  }
0x94: {  	_ =	strace s5  }
0x95: {  	s5 =	sld [smem:$0x3FFC];
	_ =	sdelay $0x3  }
0x96: {  	_ =	strace s5  }
0x97: {  	s5 =	sld [smem:$0x3FFD];
	_ =	sdelay $0x3  }
0x98: {  	_ =	strace s5  }
0x99: {  	_ =	strace $0x8FFFFFFF  }
0x9a: {  	s19 =	sld [smem:$0x3FDB];
	_ =	sdelay $0x1  }
0x9b: {  	s6 =	simm.s32 $_scs_section_size  }
0x9c: {  	s7 =	simm.s32 $_size__tile_overlayer_lowered;
	s8 =	simm.s32 $_tile_overlayer_lowered  }
0x9d: {  	s22 =	simm.s32 $0x1BFF;
	s21 =	sshll.u32 s8, $0x1;
	s5 =	sadd.s32 s6, s19  }
0x9e: {  	s9 =	simm.s32 $0x0;
	s20 =	sshll.u32 s7, $0x1;
	s7 =	sadd.s32 s21, s5  }
0x9f: {  	[timem:s9], [sflag:s22] =	dma.local [hbm:s7], s20  }
0xa0: {  	_ =	swait.ge [sflag:s22], s20  }
0xa1: {  	s6 =	ssub.s32 $0x0, s20;
	[sflag:s22] =	ssyncset.done $0x0  }
0xa2: {  	[sflag:s22] =	ssyncadd.s32 s6;
	_ =	sdelay $0x1  }
0xa3: {  	s23 =	simm.s32 $0x1B8B  }
0xa4: {  	_ =	swait.ge [sflag:s23], $0x1  }
0xa5: {  	[sflag:s23] =	ssyncset.done $0x0  }
0xa6: {  	s25 =	simm.s32 $0x1B8E;
	s24 =	sld [smem:$0x3FFE];
	[sflag:s23] =	ssyncadd.s32 $0xFFFFFFFF  }
0xa7: {  	s26 =	simm.s32 $execute0_lowered;
	[smem:$0x3FD2] =	sst s25  }
0xa8: {  	s7 =	sshll.u32 s26, $0x1;
	_ =	strace $0x80000046;
	[dreg:$0x1] =	wrdreg $0xFFFFFFFF  }
0xa9: {  	s28 =	simm.s32 $_size_execute0_lowered;
	s5 =	sadd.s32 s5, s7;
	[dreg:$0x0] =	wrdreg $0x0  }
0xaa: {  	s7 =	sshll.u32 s28, $0x1;
	[dreg:$0x2] =	wrdreg s5  }
0xab: {  	[dreg:$0x3] =	wrdreg s7  }
0xac: {  	[dreg:$0x4] =	wrdreg $0xC0  }
0xad: {  	_ =	task [dreg:s9], $0x5FFFF  }
0xae: {  	[dreg:$0x1] =	wrdreg $0xFFFFFFFF  }
0xaf: {  	[dreg:$0x0] =	wrdreg $0x60  }
0xb0: {  	[dreg:$0x2] =	wrdreg s2  }
0xb1: {  	[dreg:$0x3] =	wrdreg s4  }
0xb2: {  	[dreg:$0x4] =	wrdreg s18  }
0xb3: {  	[dreg:$0x5] =	wrdreg s24  }
0xb4: {  	[dreg:$0x6] =	wrdreg $0x9  }
0xb5: {  	_ =	task.clear_ibuf [dreg:s9], $0x7FFFF;
	_ =	strace $0x90000046  }
0xb6: {  	s29 =	simm.s32 $0x9;
	_ =	strace $0x80000048  }
0xb7: {  	_ =	swait.ge [sflag:s29], $0x1  }
0xb8: {  	[sflag:s29] =	ssyncadd.s32 $0xFFFFFFFF  }
0xb9: {  	_ =	strace $0x90000048  }
0xba: {  	_ =	sfence  }
0xbb: {  	s30 =	sld [smem:$0x0];
	_ =	sdelay $0x2  }
0xbc: {  	s31 =	sshll.u32 s1, $0xD;
	s1 =	sshrl.u32 s1, $0x2  }
0xbd: {  	s3 =	sand.u32 $0x4000, s31;
	s1 =	sadd.s32 s1, s30  }
0xbe: {  	s0 =	sor.u32 s3, s0;
	s1 =	sshll.u32 s1, $0x11  }
0xbf: {  	s0 =	sor.u32 s1, s0  }
0xc0: {  	s0 =	sadd.s32 $0x8F2B, s0  }
0xc1: {  	[sflag:s0] =	ssyncadd.remote.s32 $0x1  }
0xc2: {  	_ =	sfence.sel $0xFFFF  }
0xc3: {  	[dreg:$0x0] =	wrdreg $0xFFFFFFFF;
	(pc) =	sbr.abs _section_cstart, $3  }
0xc4: {  	[dreg:$0x1] =	wrdreg $0xFFFFFFFF  }
0xc5: {  	_ =	task.clear_ibuf [dreg:s9], $0x2FFFF;
	_ =	strace $0x9FFFFFFF  }
0xc6: {  	(tm) =	ssettm $0x7FFFFFFF  }
0xc7: {  	_ =	shalt  }
tec
execute0_lowered:
.L_overlay_start_1:
0x0: {  	(tag) =	ssettag $0x1  }
0x1: {  	s1 =	rddreg [dreg:$0x0]  }
0x2: {  	s2 =	rddreg [dreg:$0x1];
	s3 =	srdreg.scid  }
0x3: {  	s6 =	rddreg [dreg:$0x2];
	s0 =	stileid.u32  }
0x4: {  	s7 =	rddreg [dreg:$0x3];
	s4 =	simm.s32 $0x0;
	s12 =	simm.s32 $0x80  }
0x5: {  	s13 =	simm.s32 $0x40;
	s14 =	simm.s32 $0x100;
	s15 =	simm.s32 $0x2100  }
0x6: {  	s16 =	simm.s32 $0x4100;
	s17 =	simm.s32 $0x6100;
	s18 =	simm.s32 $0x1  }
0x7: {  	s19 =	simm.s32 $0x0;
	s5 =	sand.u32 $0x1, s3;
	s3 =	rddreg [dreg:$0x4]  }
0x8: {  	s8 =	sshll.u32 s0, $0x7;
	[smem:$0x7FF] =	sst s4;
	s9 =	sshll.u32 s5, $0x6  }
0x9: {  	_ =	strace $0x80000047;
	s5 =	ssub.s32 $0x2, s5;
	s8 =	sor.u32 s9, s8  }
0xa: {  	s11 =	sshrl.u32 s5, $0x1;
	s10 =	sshll.u32 s8, $0x4;
	s30 =	sshll.u32 s8, $0x1  }
0xb: {  	s10 =	sadd.s32 s10, s7;
	s8 =	sor.u32 s9, s30;
	s7 =	sand.u32 $0xF00, s30  }
0xc: {  	s11 =	ssub.s32 s5, s11;
	s8 =	sshrl.u32 s8, $0x3;
	s7 =	sor.u32 s9, s7  }
0xd: {  	s9 =	sadd.s32 $0x13E00, s10;
	s31 =	sor.u32 $0x10, s8;
	s7 =	sshrl.u32 s7, $0x3  }
0xe: {  	s8 =	sadd.s32 $0xBE00, s10;
	s5 =	sadd.s32 s6, s31;
	s6 =	sadd.s32 s6, s7  }
0xf: {  	s7 =	sadd.s32 $0x3E00, s10;
	s10 =	smax.u32 s11, $0x1;
	s11 =	simm.s32 $0x2  }
.LBB2_1:
0x10: {  	[tilespmem:s4], [sflag:$0x2] =	stream.linear.gather [hbm4b:s5+s4], $0x40, $0x38;
	[tilespmem:$0x8100] =	vst v63  }
0x11: {  	_ =	swait.ge [sflag:s11], $0x40  }
0x12: {  	[sflag:s11] =	ssyncset.done $0x0  }
0x13: {  	[sflag:s11] =	ssyncadd.s32 $0xFFFFFFC0  }
0x14: {  	[tilespmem:s12], [sflag:$0x2] =	stream.linear.gather [hbm4b:s6+s4], $0x40, $0x38;
	[tilespmem:$0x8100] =	vst v63  }
0x15: {  	_ =	swait.ge [sflag:s11], $0x40  }
0x16: {  	[sflag:s11] =	ssyncset.done $0x0  }
0x17: {  	[sflag:s11] =	ssyncadd.s32 $0xFFFFFFC0  }
0x18: {  	[tilespmem:s14], [sflag:$0x1] =	stream.indirect.gather [hbm4b:s1+s13], $0x80, s4, s13, $0xb8;
	[tilespmem:$0x8100] =	vst v63  }
0x19: {  	_ = 	snop  }
0x1a: {  	[tilespmem:s15], [sflag:$0x1] =	stream.indirect.gather [hbm4b:s1+s13], $0x80, s12, s13, $0xb8;
	[tilespmem:$0x8100] =	vst v63  }
0x1b: {  	_ = 	snop  }
0x1c: {  	[tilespmem:s16], [sflag:$0x1] =	stream.indirect.gather [hbm4b:s2+s13], $0x80, s4, s13, $0xb8;
	[tilespmem:$0x8100] =	vst v63  }
0x1d: {  	_ = 	snop  }
0x1e: {  	[tilespmem:s17], [sflag:$0x1] =	stream.indirect.gather [hbm4b:s2+s13], $0x80, s12, s13, $0xb8;
	[tilespmem:$0x8100] =	vst v63  }
0x1f: {  	_ =	swait.ge [sflag:s18], $0x2000  }
0x20: {  	[sflag:s18] =	ssyncset.done $0x0  }
0x21: {  	[sflag:s18] =	ssyncadd.s32 $0xFFFFE000  }
0x22: {  	[hbm4b:s7+s4] =	stream.linear.scatter [tilespmem:s14], [sflag:$0x2], $0x2000, $0x38;
	[tilespmem:$0x8100] =	vst v63  }
0x23: {  	_ =	swait.ge [sflag:s11], $0x2000  }
0x24: {  	[sflag:s11] =	ssyncset.done $0x0  }
0x25: {  	[sflag:s11] =	ssyncadd.s32 $0xFFFFE000  }
0x26: {  	_ =	swait.ge [sflag:s18], $0x2000  }
0x27: {  	[sflag:s18] =	ssyncset.done $0x0  }
0x28: {  	[sflag:s18] =	ssyncadd.s32 $0xFFFFE000  }
0x29: {  	[hbm4b:s8+s4] =	stream.linear.scatter [tilespmem:s15], [sflag:$0x2], $0x2000, $0x38;
	[tilespmem:$0x8100] =	vst v63  }
0x2a: {  	_ =	swait.ge [sflag:s11], $0x2000  }
0x2b: {  	[sflag:s11] =	ssyncset.done $0x0  }
0x2c: {  	[sflag:s11] =	ssyncadd.s32 $0xFFFFE000  }
0x2d: {  	_ =	swait.ge [sflag:s18], $0x2000  }
0x2e: {  	[sflag:s18] =	ssyncset.done $0x0  }
0x2f: {  	[sflag:s18] =	ssyncadd.s32 $0xFFFFE000  }
0x30: {  	_ =	swait.ge [sflag:s18], $0x2000  }
0x31: {  	[sflag:s18] =	ssyncset.done $0x0  }
0x32: {  	s20 =	simm.s32 $0x0;
	[sflag:s18] =	ssyncadd.s32 $0xFFFFE000  }
0x33: {  	v7 =	vld [tilespmem:s20+$0x6100]  }
0x34: {  	v11 =	vld [tilespmem:s20+$0x6110]  }
0x35: {  	v5 =	vld [tilespmem:s20+$0x6120]  }
0x36: {  	v4 =	vld [tilespmem:s20+$0x6130]  }
0x37: {  	v3 =	vld [tilespmem:s20+$0x6140]  }
0x38: {  	v2 =	vld [tilespmem:s20+$0x6150]  }
0x39: {  	v1 =	vld [tilespmem:s20+$0x6160]  }
0x3a: {  	v0 =	vld [tilespmem:s20+$0x6170]  }
0x3b: {  	v12 =	vld [tilespmem:s20+$0x4100]  }
0x3c: {  	v13 =	vld [tilespmem:s20+$0x4110]  }
0x3d: {  	v10 =	vld [tilespmem:s20+$0x4120]  }
0x3e: {  	v9 =	vld [tilespmem:s20+$0x4130]  }
0x3f: {  	v8 =	vld [tilespmem:s20+$0x4140]  }
0x40: {  	v6 =	vld [tilespmem:s20+$0x4150];
	v12 =	vsub.f32 v12, v7  }
0x41: {  	s21 =	simm.s32 $0x200;
	v11 =	vsub.f32 v13, v11;
	v7 =	vld [tilespmem:s20+$0x4160]  }
.LBB2_2:
0x42: {  	s22 =	sshra.s32 s21, $0x2;
	p0 =	sne.s32 s21, $0x7E00;
	[tilespmem:s20+$0x4100] =	vst v12;
	v5 =	vsub.f32 v10, v5;
	v10 =	vld [tilespmem:s20+$0x4170]  }
0x43: {  	v12 =	vld [tilespmem:s22+$0x6100];
	[tilespmem:s20+$0x4110] =	vst v11;
	v4 =	vsub.f32 v9, v4  }
0x44: {  	v11 =	vld [tilespmem:s22+$0x6110];
	[tilespmem:s20+$0x4120] =	vst v5;
	v3 =	vsub.f32 v8, v3  }
0x45: {  	v5 =	vld [tilespmem:s22+$0x6120];
	[tilespmem:s20+$0x4130] =	vst v4;
	v2 =	vsub.f32 v6, v2  }
0x46: {  	v4 =	vld [tilespmem:s22+$0x6130];
	[tilespmem:s20+$0x4140] =	vst v3;
	v1 =	vsub.f32 v7, v1  }
0x47: {  	v3 =	vld [tilespmem:s22+$0x6140];
	[tilespmem:s20+$0x4150] =	vst v2;
	v0 =	vsub.f32 v10, v0  }
0x48: {  	v2 =	vld [tilespmem:s22+$0x6150];
	[tilespmem:s20+$0x4160] =	vst v1  }
0x49: {  	v1 =	vld [tilespmem:s22+$0x6160];
	[tilespmem:s20+$0x4170] =	vst v0;
	s20 =	smov.u32 s22  }
0x4a: {  	v0 =	vld [tilespmem:s20+$0x6170]  }
0x4b: {  	v6 =	vld [tilespmem:s20+$0x4100]  }
0x4c: {  	v7 =	vld [tilespmem:s20+$0x4110]  }
.Ltmp0:
0x4d: {  	v10 =	vld [tilespmem:s20+$0x4120];
	(pc) =	sbr.rel @p0 .LBB2_2-.Ltmp0, $4  }
0x4e: {  	v9 =	vld [tilespmem:s20+$0x4130]  }
0x4f: {  	v8 =	vld [tilespmem:s20+$0x4140]  }
0x50: {  	v12 =	vsub.f32 v6, v12;
	v6 =	vld [tilespmem:s20+$0x4150]  }
0x51: {  	s21 =	sadd.s32 $0x200, s21;
	v11 =	vsub.f32 v7, v11;
	v7 =	vld [tilespmem:s20+$0x4160]  }
0x52: {  	[tilespmem:s20+$0x4100] =	vst v12;
	v5 =	vsub.f32 v10, v5;
	v63 =	vld [tilespmem:s20+$0x4170]  }
0x53: {  	[tilespmem:s20+$0x4110] =	vst v11;
	v4 =	vsub.f32 v9, v4  }
0x54: {  	[tilespmem:s20+$0x4120] =	vst v5;
	v3 =	vsub.f32 v8, v3  }
0x55: {  	[tilespmem:s20+$0x4130] =	vst v4;
	v2 =	vsub.f32 v6, v2  }
0x56: {  	[tilespmem:s20+$0x4140] =	vst v3;
	v1 =	vsub.f32 v7, v1  }
0x57: {  	s19 =	sadd.s32 $0x1, s19;
	[tilespmem:s20+$0x4150] =	vst v2;
	v0 =	vsub.f32 v63, v0  }
0x58: {  	p0 =	sne.s32 s19, s10;
	[tilespmem:s20+$0x4160] =	vst v1  }
.Ltmp1:
0x59: {  	[tilespmem:s20+$0x4170] =	vst v0;
	(pc) =	sbr.rel @p0 .LBB2_1-.Ltmp1, $4  }
0x5a: {  	[hbm4b:s9+s4] =	stream.linear.scatter [tilespmem:s16], [sflag:$0x2], $0x2000, $0x38;
	[tilespmem:$0x8100] =	vst v63  }
0x5b: {  	_ =	swait.ge [sflag:s11], $0x2000  }
0x5c: {  	[sflag:s11] =	ssyncset.done $0x0  }
0x5d: {  	[sflag:s11] =	ssyncadd.s32 $0xFFFFE000  }
0x5e: {  	_ =	sfence.sel $0x180000  }
0x5f: {  	[bflag:$0x0] =	sbarrier.arrive $0xFFFF  }
0x60: {  	p0 =	sne.s32 s0, $0x0;
	_ =	strace $0x90000047  }
0x61: {  	s0 =	sadd.s32 @!p0 $0x100000, s3;
	[bflag:$0x2] =	sbarrier.arrive $0xFFFF  }
0x62: {  	[sflag:s0] =	ssyncadd.tile.s32 @!p0 $0x1;
	_ =	shalt  }
.Lfunc_end2:
_tile_overlayer_lowered:
.L_overlay_start_2:
0x63: {  	(tag) =	ssettag $0x2  }
0x64: {  	s0 =	rddreg [dreg:$0x0];
	s2 =	stileid.u32  }
0x65: {  	s1 =	rddreg [dreg:$0x1];
	p0 =	sne.s32 s2, $0x0  }
0x66: {  	s3 =	rddreg [dreg:$0x2];
	[bflag:$0x3] =	sbarrier.arrive $0xFFFF;
	s2 =	simm.s32 @!p0 $0x1C02  }
0x67: {  	[timem:s3], [sflag:s2] =	dma.local @!p0 [hbm:s0], s1  }
0x68: {  	s0 =	simm.s32 @!p0 $0x2  }
0x69: {  	_ =	swait.ge @!p0 [sflag:s0], s1  }
0x6a: {  	s1 =	ssub.s32 @!p0 $0x0, s1;
	[sflag:s0] =	ssyncset.done @!p0 $0x0  }
0x6b: {  	[sflag:s0] =	ssyncadd.s32 @!p0 s1  }
0x6c: {  	[bflag:$0x3] =	sbarrier.arrive $0xFFFF  }
0x6d: {  	_ =	shalt  }

</sc_bundles>
